<compile_context>
chip_gen: v7x
topology: tpu7x:2x2x1
jax: 0.10.2.dev20260603
libtpu: 0.0.44.dev20260713+nightly
codegen_flags: <defaults>
</compile_context>

<pallas_src>
import functools

import jax
import jax.numpy as jnp
from jax import lax
from jax.experimental import pallas as pl
from jax.experimental.pallas import tpu as pltpu
from jax.experimental.pallas import tpu_sc as plsc

V_WORD = 1000000
V_CHAR = 96
B = 1024
S = 50
WLEN = 16
K = 5
D_WORD = 64
D_CHAR = 32
NF = 64
H = D_WORD + NF
N = B * S
WOUT = WLEN - K + 1

NC = 2
NS = 16
NW = NC * NS
ROWS_PER_W = N // NW
CHUNK = 80
NCHUNK = ROWS_PER_W // CHUNK

RBLK = 256
NBLK = N // RBLK
BB = 8
CBLK = BB * S
NCBLK = B // BB


IDX_COLS = 400
IDX_ROWS = N // IDX_COLS
ROWS_PER_IDX_ROW = 4


def _flat_body(idx_ref, out_ref):
    x3 = idx_ref[...].reshape(8, 8, S)
    out_ref[...] = jnp.concatenate([x3[:, j, :] for j in range(8)], axis=1)


def _flatten_widx(word_idxs):
    return pl.pallas_call(
        _flat_body,
        grid=(IDX_ROWS // 8,),
        in_specs=[pl.BlockSpec((8 * IDX_COLS // S, S), lambda i: (i, 0))],
        out_specs=pl.BlockSpec((8, IDX_COLS), lambda i: (i, 0)),
        out_shape=jax.ShapeDtypeStruct((IDX_ROWS, IDX_COLS), jnp.int32),
        compiler_params=pltpu.CompilerParams(
            dimension_semantics=("parallel",)),
    )(word_idxs)


def _word_gather(table, idx2d):
    mesh = plsc.VectorSubcoreMesh(core_axis_name="c", subcore_axis_name="s")

    @functools.partial(
        pl.kernel,
        mesh=mesh,
        out_type=jax.ShapeDtypeStruct((N, D_WORD), jnp.float32),
        scratch_types=[
            pltpu.VMEM((ROWS_PER_IDX_ROW, IDX_COLS), jnp.int32),
            pltpu.VMEM((ROWS_PER_W, D_WORD), jnp.float32),
            pltpu.SemaphoreType.DMA,
        ],
        compiler_params=pltpu.CompilerParams(use_tc_tiling_on_sc=False),
    )
    def gather_kernel(table_hbm, idx_hbm, out_hbm, idx_v, rows_v, sem):
        wid = lax.axis_index("s") * NC + lax.axis_index("c")
        pltpu.sync_copy(
            idx_hbm.at[pl.ds(wid * ROWS_PER_IDX_ROW, ROWS_PER_IDX_ROW), :],
            idx_v)
        copies = []
        for jr in range(ROWS_PER_IDX_ROW):
            for c in range(IDX_COLS // CHUNK):
                off = jr * IDX_COLS + c * CHUNK
                copies.append(
                    pltpu.async_copy(
                        table_hbm.at[idx_v.at[jr, pl.ds(c * CHUNK, CHUNK)]],
                        rows_v.at[pl.ds(off, CHUNK)],
                        sem,
                    )
                )
        for cp in copies:
            cp.wait()
        pltpu.sync_copy(rows_v, out_hbm.at[pl.ds(wid * ROWS_PER_W, ROWS_PER_W)])

    return gather_kernel(table, idx2d)


def _char_body(cidx_ref, ct_ref, cw_ref, cb_ref, out_ref):
    cidxt = cidx_ref[...].reshape(CBLK, WLEN).T
    oh = (cidxt[:, :, None]
          == lax.broadcasted_iota(jnp.int32, (WLEN, CBLK, V_CHAR), 2))
    ohf = oh.astype(jnp.float32)
    cw = cw_ref[...]
    conv = None
    for k in range(K):
        ohk = ohf[k:k + WOUT].reshape(WOUT * CBLK, V_CHAR)
        pk = lax.dot_general(ct_ref[...], cw[:, :, k],
                             (((1,), (1,)), ((), ())),
                             preferred_element_type=jnp.float32)
        term = jnp.dot(ohk, pk, preferred_element_type=jnp.float32)
        conv = term if conv is None else conv + term
    mx = conv.reshape(WOUT, CBLK, NF).max(axis=0)
    out_ref[...] = jnp.maximum(mx + cb_ref[...], 0.0)


def _char_emb(cidx3, ct, cw, cb):
    return pl.pallas_call(
        _char_body,
        grid=(NCBLK,),
        in_specs=[
            pl.BlockSpec((BB, S, WLEN), lambda i: (i, 0, 0)),
            pl.BlockSpec((V_CHAR, D_CHAR), lambda i: (0, 0)),
            pl.BlockSpec((NF, D_CHAR, K), lambda i: (0, 0, 0)),
            pl.BlockSpec((1, NF), lambda i: (0, 0)),
        ],
        out_specs=pl.BlockSpec((CBLK, NF), lambda i: (i, 0)),
        out_shape=jax.ShapeDtypeStruct((N, NF), jnp.float32),
        compiler_params=pltpu.CompilerParams(
            dimension_semantics=("parallel",)),
    )(cidx3, ct, cw, cb)


def _highway_body(wemb_ref, cemb_ref,
                  wg0_ref, bg0_ref, wt0_ref, bt0_ref,
                  wg1_ref, bg1_ref, wt1_ref, bt1_ref, out_ref):
    x = jnp.concatenate([wemb_ref[...], cemb_ref[...]], axis=1)
    tdims = (((1,), (1,)), ((), ()))
    for wg, bg, wt, bt in ((wg0_ref, bg0_ref, wt0_ref, bt0_ref),
                           (wg1_ref, bg1_ref, wt1_ref, bt1_ref)):
        g = jax.nn.sigmoid(lax.dot_general(x, wg[...], tdims,
                                           preferred_element_type=jnp.float32)
                           + bg[...])
        t = jnp.maximum(lax.dot_general(x, wt[...], tdims,
                                        preferred_element_type=jnp.float32)
                        + bt[...], 0.0)
        x = g * t + (1.0 - g) * x
    out_ref[...] = x


def _highway(wemb, cemb, wg0t, bg0, wt0t, bt0, wg1t, bg1, wt1t, bt1):
    row_spec = lambda nc: pl.BlockSpec((RBLK, nc), lambda i: (i, 0))
    full = lambda shape: pl.BlockSpec(shape, lambda i: (0, 0))
    return pl.pallas_call(
        _highway_body,
        grid=(NBLK,),
        in_specs=[
            row_spec(D_WORD),
            row_spec(NF),
            full((H, H)), full((1, H)),
            full((H, H)), full((1, H)),
            full((H, H)), full((1, H)),
            full((H, H)), full((1, H)),
        ],
        out_specs=row_spec(H),
        out_shape=jax.ShapeDtypeStruct((N, H), jnp.float32),
        compiler_params=pltpu.CompilerParams(
            dimension_semantics=("parallel",)),
    )(wemb, cemb, wg0t, bg0, wt0t, bt0, wg1t, bg1, wt1t, bt1)


def kernel(word_idxs, char_idxs, word_table, char_table, conv_w, conv_b,
           Wt0, bt0, Wg0, bg0, Wt1, bt1, Wg1, bg1):
    widx2d = _flatten_widx(word_idxs.astype(jnp.int32))
    wemb = _word_gather(word_table, widx2d)
    cemb = _char_emb(char_idxs.astype(jnp.int32), char_table, conv_w,
                     conv_b.reshape(1, NF))
    x = _highway(wemb, cemb,
                 Wg0, bg0.reshape(1, H), Wt0, bt0.reshape(1, H),
                 Wg1, bg1.reshape(1, H), Wt1, bt1.reshape(1, H))
    return x.reshape(B, S, H)

# --- scband reference (transcript-rebuilt; emitter-appended) ---
"""Pipeline reference for scband-qanet-embedding-33406255628858 (READ-ONLY COPY).

The authoritative reference and input builder live on the scoring server;
editing this copy changes nothing except your own understanding.
"""

import jax, jax.numpy as jnp
import numpy as np

V_WORD = 1000000
D_WORD = 64
V_CHAR = 96
D_CHAR = 32
NF = 64
B = 1024
S = 50
WLEN = 16
K = 5
H = D_WORD + NF  # 128


def setup_inputs(seed: int = 0) -> dict:
    key = jax.random.key(seed)
    ks = jax.random.split(key, 16)
    inp = {}
    inp["word_idxs"] = jax.random.randint(ks[0], (B, S), 0, V_WORD)
    inp["char_idxs"] = jax.random.randint(ks[1], (B, S, WLEN), 0, V_CHAR)
    # pretrained embedding tables (nn.Embedding.from_pretrained)
    inp["word_table"] = jax.random.normal(ks[2], (V_WORD, D_WORD), jnp.float32) * 0.1
    inp["char_table"] = jax.random.normal(ks[3], (V_CHAR, D_CHAR), jnp.float32) * 0.1
    # char conv: Conv2d(D_CHAR, NF, kernel=(1,5)) == 1D conv over word_len
    inp["conv_w"] = jax.random.normal(ks[4], (NF, D_CHAR, K), jnp.float32) * (1.0 / np.sqrt(D_CHAR * K))
    inp["conv_b"] = jnp.zeros((NF,), jnp.float32)
    # highway: 2 layers of (transform, gate) linears over H=128
    scale = 1.0 / np.sqrt(H)
    inp["Wt0"] = jax.random.normal(ks[5], (H, H), jnp.float32) * scale
    inp["bt0"] = jnp.zeros((H,), jnp.float32)
    inp["Wg0"] = jax.random.normal(ks[6], (H, H), jnp.float32) * scale
    inp["bg0"] = jnp.zeros((H,), jnp.float32)
    inp["Wt1"] = jax.random.normal(ks[7], (H, H), jnp.float32) * scale
    inp["bt1"] = jnp.zeros((H,), jnp.float32)
    inp["Wg1"] = jax.random.normal(ks[8], (H, H), jnp.float32) * scale
    inp["bg1"] = jnp.zeros((H,), jnp.float32)
    return inp


def reference(word_idxs, char_idxs, word_table, char_table, conv_w, conv_b,
              Wt0, bt0, Wg0, bg0, Wt1, bt1, Wg1, bg1):
    # word embedding lookup (dropout is identity in eval mode)
    word_emb = jnp.take(word_table, word_idxs, axis=0)           # (B, S, D_WORD)
    # char embedding lookup
    ce = jnp.take(char_table, char_idxs, axis=0)                  # (B, S, WLEN, D_CHAR)
    # conv over word_len with kernel K (valid padding), then relu + max-pool over positions
    wout = WLEN - K + 1
    windows = jnp.stack([ce[:, :, k:k + wout, :] for k in range(K)], axis=-1)  # (B,S,wout,D_CHAR,K)
    conv = jnp.einsum('bswdk,fdk->bswf', windows, conv_w) + conv_b             # (B,S,wout,NF)
    conv = jax.nn.relu(conv)
    char_emb = jnp.max(conv, axis=2)                              # (B, S, NF)
    # concat and 2-layer highway encoder
    x = jnp.concatenate([word_emb, char_emb], axis=-1)            # (B, S, H)
    for Wt, bt, Wg, bg in ((Wt0, bt0, Wg0, bg0), (Wt1, bt1, Wg1, bg1)):
        g = jax.nn.sigmoid(jnp.dot(x, Wg.T) + bg)
        t = jax.nn.relu(jnp.dot(x, Wt.T) + bt)
        x = g * t + (1.0 - g) * x
    return x

if __name__ == "__main__":
    import jax
    _d = setup_inputs()
    print(jax.jit(kernel)(*tuple(_d.values())))

</pallas_src>

<mosaic_0001>
#map = affine_map<(d0, d1) -> (0, 0)>
module attributes {stable_mosaic.version = 14 : i64} {
  func.func @gather_kernel(%arg0: i32, %arg1: i32, %arg2: memref<1000000x64xf32, #tpu.memory_space<hbm>>, %arg3: memref<128x400xi32, #tpu.memory_space<hbm>>, %arg4: memref<51200x64xf32, #tpu.memory_space<hbm>>, %arg5: memref<4x400xi32, #tpu.memory_space<vmem>>, %arg6: memref<1600x64xf32, #tpu.memory_space<vmem>>, %arg7: memref<!tpu.dma_semaphore, #tpu.memory_space<semaphore_mem>>) attributes {dimension_semantics = [#tpu.dimension_semantics<core_parallel>, #tpu.dimension_semantics<subcore_parallel>], iteration_bounds = array<i64: 2, 16>, scalar_prefetch = 0 : i64, scratch_operands = 3 : i64, tpu.core_type = #tpu.core_type<sc_vector_subcore>, window_params = [{transform_indices = #map}, {transform_indices = #map}, {transform_indices = #map}]} {
    %mul3A = arith.constant 2 : i32
    %mul3A_0 = arith.muli %arg1, %mul3A : i32
    %add3A = arith.addi %mul3A_0, %arg0 : i32
    %mul3A_1 = arith.constant 4 : i32
    %mul3A_2 = arith.muli %add3A, %mul3A_1 : i32
    "tpu.region"() ({
      %run_scoped3A = tpu.sem_alloc : memref<!tpu.dma_semaphore, #tpu.memory_space<semaphore_mem>>
      %dma_start3A_403 = arith.constant 0 : i32
      %dma_start3A_404 = tpu.memref_slice %arg3[%mul3A_2, %dma_start3A_403] : memref<128x400xi32, #tpu.memory_space<hbm>> -> memref<4x400xi32, #tpu.memory_space<hbm>>
      %dma_start3A_405 = arith.constant 0 : i32
      %dma_start3A_406 = tpu.memref_slice %arg3[%mul3A_2, %dma_start3A_405] : memref<128x400xi32, #tpu.memory_space<hbm>> -> memref<4x400xi32, #tpu.memory_space<hbm>>
      tpu.enqueue_dma source(%dma_start3A_406 : memref<4x400xi32, #tpu.memory_space<hbm>>) target(%arg5 : memref<4x400xi32, #tpu.memory_space<vmem>>) target_semaphore(%run_scoped3A : memref<!tpu.dma_semaphore, #tpu.memory_space<semaphore_mem>>)
      %dma_wait3A_407 = arith.constant 0 : i32
      %dma_wait3A_408 = tpu.memref_slice %arg3[%mul3A_2, %dma_wait3A_407] : memref<128x400xi32, #tpu.memory_space<hbm>> -> memref<4x400xi32, #tpu.memory_space<hbm>>
      %dma_wait3A_409 = arith.constant 0 : i32
      %dma_wait3A_410 = tpu.memref_slice %arg3[%mul3A_2, %dma_wait3A_409] : memref<128x400xi32, #tpu.memory_space<hbm>> -> memref<4x400xi32, #tpu.memory_space<hbm>>
      tpu.wait_dma2 semaphore(%run_scoped3A : memref<!tpu.dma_semaphore, #tpu.memory_space<semaphore_mem>>) src(%dma_wait3A_410 : memref<4x400xi32, #tpu.memory_space<hbm>>) dst(%arg5 : memref<4x400xi32, #tpu.memory_space<vmem>>)
      tpu.yield
    }) : () -> ()
    %dma_start3A = arith.constant 0 : i32
    %dma_start3A_3 = arith.constant 0 : i32
    %dma_start3A_4 = arith.constant 0 : i32
    %dma_start3A_5 = tpu.memref_slice %arg6[%dma_start3A_3, %dma_start3A_4] : memref<1600x64xf32, #tpu.memory_space<vmem>> -> memref<80x64xf32, #tpu.memory_space<vmem>>
    %dma_start3A_6 = arith.constant 0 : i32
    %dma_start3A_7 = tpu.memref_slice %arg5[%dma_start3A, %dma_start3A_6] : memref<4x400xi32, #tpu.memory_space<vmem>> -> memref<1x80xi32, #tpu.memory_space<vmem>>
    %dma_start3A_8 = tpu.memref_squeeze %dma_start3A_7 : memref<1x80xi32, #tpu.memory_space<vmem>> -> memref<80xi32, #tpu.memory_space<vmem>>
    %dma_start3A_9 = arith.constant 0 : i32
    %dma_start3A_10 = arith.constant 0 : i32
    %dma_start3A_11 = tpu.memref_slice %arg2[%dma_start3A_9, %dma_start3A_10] : memref<1000000x64xf32, #tpu.memory_space<hbm>> -> memref<1000000x64xf32, #tpu.memory_space<hbm>>
    tpu.enqueue_indirect_dma source(%dma_start3A_11 : memref<1000000x64xf32, #tpu.memory_space<hbm>>) target(%dma_start3A_5 : memref<80x64xf32, #tpu.memory_space<vmem>>) offsets(%dma_start3A_8 : memref<80xi32, #tpu.memory_space<vmem>>) semaphore(%arg7 : memref<!tpu.dma_semaphore, #tpu.memory_space<semaphore_mem>>)
    %dma_start3A_12 = arith.constant 0 : i32
    %dma_start3A_13 = arith.constant 80 : i32
    %dma_start3A_14 = arith.constant 0 : i32
    %dma_start3A_15 = tpu.memref_slice %arg6[%dma_start3A_13, %dma_start3A_14] : memref<1600x64xf32, #tpu.memory_space<vmem>> -> memref<80x64xf32, #tpu.memory_space<vmem>>
    %dma_start3A_16 = arith.constant 80 : i32
    %dma_start3A_17 = tpu.memref_slice %arg5[%dma_start3A_12, %dma_start3A_16] : memref<4x400xi32, #tpu.memory_space<vmem>> -> memref<1x80xi32, #tpu.memory_space<vmem>>
    %dma_start3A_18 = tpu.memref_squeeze %dma_start3A_17 : memref<1x80xi32, #tpu.memory_space<vmem>> -> memref<80xi32, #tpu.memory_space<vmem>>
    %dma_start3A_19 = arith.constant 0 : i32
    %dma_start3A_20 = arith.constant 0 : i32
    %dma_start3A_21 = tpu.memref_slice %arg2[%dma_start3A_19, %dma_start3A_20] : memref<1000000x64xf32, #tpu.memory_space<hbm>> -> memref<1000000x64xf32, #tpu.memory_space<hbm>>
    tpu.enqueue_indirect_dma source(%dma_start3A_21 : memref<1000000x64xf32, #tpu.memory_space<hbm>>) target(%dma_start3A_15 : memref<80x64xf32, #tpu.memory_space<vmem>>) offsets(%dma_start3A_18 : memref<80xi32, #tpu.memory_space<vmem>>) semaphore(%arg7 : memref<!tpu.dma_semaphore, #tpu.memory_space<semaphore_mem>>)
    %dma_start3A_22 = arith.constant 0 : i32
    %dma_start3A_23 = arith.constant 160 : i32
    %dma_start3A_24 = arith.constant 0 : i32
    %dma_start3A_25 = tpu.memref_slice %arg6[%dma_start3A_23, %dma_start3A_24] : memref<1600x64xf32, #tpu.memory_space<vmem>> -> memref<80x64xf32, #tpu.memory_space<vmem>>
    %dma_start3A_26 = arith.constant 160 : i32
    %dma_start3A_27 = tpu.memref_slice %arg5[%dma_start3A_22, %dma_start3A_26] : memref<4x400xi32, #tpu.memory_space<vmem>> -> memref<1x80xi32, #tpu.memory_space<vmem>>
    %dma_start3A_28 = tpu.memref_squeeze %dma_start3A_27 : memref<1x80xi32, #tpu.memory_space<vmem>> -> memref<80xi32, #tpu.memory_space<vmem>>
    %dma_start3A_29 = arith.constant 0 : i32
    %dma_start3A_30 = arith.constant 0 : i32
    %dma_start3A_31 = tpu.memref_slice %arg2[%dma_start3A_29, %dma_start3A_30] : memref<1000000x64xf32, #tpu.memory_space<hbm>> -> memref<1000000x64xf32, #tpu.memory_space<hbm>>
    tpu.enqueue_indirect_dma source(%dma_start3A_31 : memref<1000000x64xf32, #tpu.memory_space<hbm>>) target(%dma_start3A_25 : memref<80x64xf32, #tpu.memory_space<vmem>>) offsets(%dma_start3A_28 : memref<80xi32, #tpu.memory_space<vmem>>) semaphore(%arg7 : memref<!tpu.dma_semaphore, #tpu.memory_space<semaphore_mem>>)
    %dma_start3A_32 = arith.constant 0 : i32
    %dma_start3A_33 = arith.constant 240 : i32
    %dma_start3A_34 = arith.constant 0 : i32
    %dma_start3A_35 = tpu.memref_slice %arg6[%dma_start3A_33, %dma_start3A_34] : memref<1600x64xf32, #tpu.memory_space<vmem>> -> memref<80x64xf32, #tpu.memory_space<vmem>>
    %dma_start3A_36 = arith.constant 240 : i32
    %dma_start3A_37 = tpu.memref_slice %arg5[%dma_start3A_32, %dma_start3A_36] : memref<4x400xi32, #tpu.memory_space<vmem>> -> memref<1x80xi32, #tpu.memory_space<vmem>>
    %dma_start3A_38 = tpu.memref_squeeze %dma_start3A_37 : memref<1x80xi32, #tpu.memory_space<vmem>> -> memref<80xi32, #tpu.memory_space<vmem>>
    %dma_start3A_39 = arith.constant 0 : i32
    %dma_start3A_40 = arith.constant 0 : i32
    %dma_start3A_41 = tpu.memref_slice %arg2[%dma_start3A_39, %dma_start3A_40] : memref<1000000x64xf32, #tpu.memory_space<hbm>> -> memref<1000000x64xf32, #tpu.memory_space<hbm>>
    tpu.enqueue_indirect_dma source(%dma_start3A_41 : memref<1000000x64xf32, #tpu.memory_space<hbm>>) target(%dma_start3A_35 : memref<80x64xf32, #tpu.memory_space<vmem>>) offsets(%dma_start3A_38 : memref<80xi32, #tpu.memory_space<vmem>>) semaphore(%arg7 : memref<!tpu.dma_semaphore, #tpu.memory_space<semaphore_mem>>)
    %dma_start3A_42 = arith.constant 0 : i32
    %dma_start3A_43 = arith.constant 320 : i32
    %dma_start3A_44 = arith.constant 0 : i32
    %dma_start3A_45 = tpu.memref_slice %arg6[%dma_start3A_43, %dma_start3A_44] : memref<1600x64xf32, #tpu.memory_space<vmem>> -> memref<80x64xf32, #tpu.memory_space<vmem>>
    %dma_start3A_46 = arith.constant 320 : i32
    %dma_start3A_47 = tpu.memref_slice %arg5[%dma_start3A_42, %dma_start3A_46] : memref<4x400xi32, #tpu.memory_space<vmem>> -> memref<1x80xi32, #tpu.memory_space<vmem>>
    %dma_start3A_48 = tpu.memref_squeeze %dma_start3A_47 : memref<1x80xi32, #tpu.memory_space<vmem>> -> memref<80xi32, #tpu.memory_space<vmem>>
    %dma_start3A_49 = arith.constant 0 : i32
    %dma_start3A_50 = arith.constant 0 : i32
    %dma_start3A_51 = tpu.memref_slice %arg2[%dma_start3A_49, %dma_start3A_50] : memref<1000000x64xf32, #tpu.memory_space<hbm>> -> memref<1000000x64xf32, #tpu.memory_space<hbm>>
    tpu.enqueue_indirect_dma source(%dma_start3A_51 : memref<1000000x64xf32, #tpu.memory_space<hbm>>) target(%dma_start3A_45 : memref<80x64xf32, #tpu.memory_space<vmem>>) offsets(%dma_start3A_48 : memref<80xi32, #tpu.memory_space<vmem>>) semaphore(%arg7 : memref<!tpu.dma_semaphore, #tpu.memory_space<semaphore_mem>>)
    %dma_start3A_52 = arith.constant 1 : i32
    %dma_start3A_53 = arith.constant 400 : i32
    %dma_start3A_54 = arith.constant 0 : i32
    %dma_start3A_55 = tpu.memref_slice %arg6[%dma_start3A_53, %dma_start3A_54] : memref<1600x64xf32, #tpu.memory_space<vmem>> -> memref<80x64xf32, #tpu.memory_space<vmem>>
    %dma_start3A_56 = arith.constant 0 : i32
    %dma_start3A_57 = tpu.memref_slice %arg5[%dma_start3A_52, %dma_start3A_56] : memref<4x400xi32, #tpu.memory_space<vmem>> -> memref<1x80xi32, #tpu.memory_space<vmem>>
    %dma_start3A_58 = tpu.memref_squeeze %dma_start3A_57 : memref<1x80xi32, #tpu.memory_space<vmem>> -> memref<80xi32, #tpu.memory_space<vmem>>
    %dma_start3A_59 = arith.constant 0 : i32
    %dma_start3A_60 = arith.constant 0 : i32
    %dma_start3A_61 = tpu.memref_slice %arg2[%dma_start3A_59, %dma_start3A_60] : memref<1000000x64xf32, #tpu.memory_space<hbm>> -> memref<1000000x64xf32, #tpu.memory_space<hbm>>
    tpu.enqueue_indirect_dma source(%dma_start3A_61 : memref<1000000x64xf32, #tpu.memory_space<hbm>>) target(%dma_start3A_55 : memref<80x64xf32, #tpu.memory_space<vmem>>) offsets(%dma_start3A_58 : memref<80xi32, #tpu.memory_space<vmem>>) semaphore(%arg7 : memref<!tpu.dma_semaphore, #tpu.memory_space<semaphore_mem>>)
    %dma_start3A_62 = arith.constant 1 : i32
    %dma_start3A_63 = arith.constant 480 : i32
    %dma_start3A_64 = arith.constant 0 : i32
    %dma_start3A_65 = tpu.memref_slice %arg6[%dma_start3A_63, %dma_start3A_64] : memref<1600x64xf32, #tpu.memory_space<vmem>> -> memref<80x64xf32, #tpu.memory_space<vmem>>
    %dma_start3A_66 = arith.constant 80 : i32
    %dma_start3A_67 = tpu.memref_slice %arg5[%dma_start3A_62, %dma_start3A_66] : memref<4x400xi32, #tpu.memory_space<vmem>> -> memref<1x80xi32, #tpu.memory_space<vmem>>
    %dma_start3A_68 = tpu.memref_squeeze %dma_start3A_67 : memref<1x80xi32, #tpu.memory_space<vmem>> -> memref<80xi32, #tpu.memory_space<vmem>>
    %dma_start3A_69 = arith.constant 0 : i32
    %dma_start3A_70 = arith.constant 0 : i32
    %dma_start3A_71 = tpu.memref_slice %arg2[%dma_start3A_69, %dma_start3A_70] : memref<1000000x64xf32, #tpu.memory_space<hbm>> -> memref<1000000x64xf32, #tpu.memory_space<hbm>>
    tpu.enqueue_indirect_dma source(%dma_start3A_71 : memref<1000000x64xf32, #tpu.memory_space<hbm>>) target(%dma_start3A_65 : memref<80x64xf32, #tpu.memory_space<vmem>>) offsets(%dma_start3A_68 : memref<80xi32, #tpu.memory_space<vmem>>) semaphore(%arg7 : memref<!tpu.dma_semaphore, #tpu.memory_space<semaphore_mem>>)
    %dma_start3A_72 = arith.constant 1 : i32
    %dma_start3A_73 = arith.constant 560 : i32
    %dma_start3A_74 = arith.constant 0 : i32
    %dma_start3A_75 = tpu.memref_slice %arg6[%dma_start3A_73, %dma_start3A_74] : memref<1600x64xf32, #tpu.memory_space<vmem>> -> memref<80x64xf32, #tpu.memory_space<vmem>>
    %dma_start3A_76 = arith.constant 160 : i32
    %dma_start3A_77 = tpu.memref_slice %arg5[%dma_start3A_72, %dma_start3A_76] : memref<4x400xi32, #tpu.memory_space<vmem>> -> memref<1x80xi32, #tpu.memory_space<vmem>>
    %dma_start3A_78 = tpu.memref_squeeze %dma_start3A_77 : memref<1x80xi32, #tpu.memory_space<vmem>> -> memref<80xi32, #tpu.memory_space<vmem>>
    %dma_start3A_79 = arith.constant 0 : i32
    %dma_start3A_80 = arith.constant 0 : i32
    %dma_start3A_81 = tpu.memref_slice %arg2[%dma_start3A_79, %dma_start3A_80] : memref<1000000x64xf32, #tpu.memory_space<hbm>> -> memref<1000000x64xf32, #tpu.memory_space<hbm>>
    tpu.enqueue_indirect_dma source(%dma_start3A_81 : memref<1000000x64xf32, #tpu.memory_space<hbm>>) target(%dma_start3A_75 : memref<80x64xf32, #tpu.memory_space<vmem>>) offsets(%dma_start3A_78 : memref<80xi32, #tpu.memory_space<vmem>>) semaphore(%arg7 : memref<!tpu.dma_semaphore, #tpu.memory_space<semaphore_mem>>)
    %dma_start3A_82 = arith.constant 1 : i32
    %dma_start3A_83 = arith.constant 640 : i32
    %dma_start3A_84 = arith.constant 0 : i32
    %dma_start3A_85 = tpu.memref_slice %arg6[%dma_start3A_83, %dma_start3A_84] : memref<1600x64xf32, #tpu.memory_space<vmem>> -> memref<80x64xf32, #tpu.memory_space<vmem>>
    %dma_start3A_86 = arith.constant 240 : i32
    %dma_start3A_87 = tpu.memref_slice %arg5[%dma_start3A_82, %dma_start3A_86] : memref<4x400xi32, #tpu.memory_space<vmem>> -> memref<1x80xi32, #tpu.memory_space<vmem>>
    %dma_start3A_88 = tpu.memref_squeeze %dma_start3A_87 : memref<1x80xi32, #tpu.memory_space<vmem>> -> memref<80xi32, #tpu.memory_space<vmem>>
    %dma_start3A_89 = arith.constant 0 : i32
    %dma_start3A_90 = arith.constant 0 : i32
    %dma_start3A_91 = tpu.memref_slice %arg2[%dma_start3A_89, %dma_start3A_90] : memref<1000000x64xf32, #tpu.memory_space<hbm>> -> memref<1000000x64xf32, #tpu.memory_space<hbm>>
    tpu.enqueue_indirect_dma source(%dma_start3A_91 : memref<1000000x64xf32, #tpu.memory_space<hbm>>) target(%dma_start3A_85 : memref<80x64xf32, #tpu.memory_space<vmem>>) offsets(%dma_start3A_88 : memref<80xi32, #tpu.memory_space<vmem>>) semaphore(%arg7 : memref<!tpu.dma_semaphore, #tpu.memory_space<semaphore_mem>>)
    %dma_start3A_92 = arith.constant 1 : i32
    %dma_start3A_93 = arith.constant 720 : i32
    %dma_start3A_94 = arith.constant 0 : i32
    %dma_start3A_95 = tpu.memref_slice %arg6[%dma_start3A_93, %dma_start3A_94] : memref<1600x64xf32, #tpu.memory_space<vmem>> -> memref<80x64xf32, #tpu.memory_space<vmem>>
    %dma_start3A_96 = arith.constant 320 : i32
    %dma_start3A_97 = tpu.memref_slice %arg5[%dma_start3A_92, %dma_start3A_96] : memref<4x400xi32, #tpu.memory_space<vmem>> -> memref<1x80xi32, #tpu.memory_space<vmem>>
    %dma_start3A_98 = tpu.memref_squeeze %dma_start3A_97 : memref<1x80xi32, #tpu.memory_space<vmem>> -> memref<80xi32, #tpu.memory_space<vmem>>
    %dma_start3A_99 = arith.constant 0 : i32
    %dma_start3A_100 = arith.constant 0 : i32
    %dma_start3A_101 = tpu.memref_slice %arg2[%dma_start3A_99, %dma_start3A_100] : memref<1000000x64xf32, #tpu.memory_space<hbm>> -> memref<1000000x64xf32, #tpu.memory_space<hbm>>
    tpu.enqueue_indirect_dma source(%dma_start3A_101 : memref<1000000x64xf32, #tpu.memory_space<hbm>>) target(%dma_start3A_95 : memref<80x64xf32, #tpu.memory_space<vmem>>) offsets(%dma_start3A_98 : memref<80xi32, #tpu.memory_space<vmem>>) semaphore(%arg7 : memref<!tpu.dma_semaphore, #tpu.memory_space<semaphore_mem>>)
    %dma_start3A_102 = arith.constant 2 : i32
    %dma_start3A_103 = arith.constant 800 : i32
    %dma_start3A_104 = arith.constant 0 : i32
    %dma_start3A_105 = tpu.memref_slice %arg6[%dma_start3A_103, %dma_start3A_104] : memref<1600x64xf32, #tpu.memory_space<vmem>> -> memref<80x64xf32, #tpu.memory_space<vmem>>
    %dma_start3A_106 = arith.constant 0 : i32
    %dma_start3A_107 = tpu.memref_slice %arg5[%dma_start3A_102, %dma_start3A_106] : memref<4x400xi32, #tpu.memory_space<vmem>> -> memref<1x80xi32, #tpu.memory_space<vmem>>
    %dma_start3A_108 = tpu.memref_squeeze %dma_start3A_107 : memref<1x80xi32, #tpu.memory_space<vmem>> -> memref<80xi32, #tpu.memory_space<vmem>>
    %dma_start3A_109 = arith.constant 0 : i32
    %dma_start3A_110 = arith.constant 0 : i32
    %dma_start3A_111 = tpu.memref_slice %arg2[%dma_start3A_109, %dma_start3A_110] : memref<1000000x64xf32, #tpu.memory_space<hbm>> -> memref<1000000x64xf32, #tpu.memory_space<hbm>>
    tpu.enqueue_indirect_dma source(%dma_start3A_111 : memref<1000000x64xf32, #tpu.memory_space<hbm>>) target(%dma_start3A_105 : memref<80x64xf32, #tpu.memory_space<vmem>>) offsets(%dma_start3A_108 : memref<80xi32, #tpu.memory_space<vmem>>) semaphore(%arg7 : memref<!tpu.dma_semaphore, #tpu.memory_space<semaphore_mem>>)
    %dma_start3A_112 = arith.constant 2 : i32
    %dma_start3A_113 = arith.constant 880 : i32
    %dma_start3A_114 = arith.constant 0 : i32
    %dma_start3A_115 = tpu.memref_slice %arg6[%dma_start3A_113, %dma_start3A_114] : memref<1600x64xf32, #tpu.memory_space<vmem>> -> memref<80x64xf32, #tpu.memory_space<vmem>>
    %dma_start3A_116 = arith.constant 80 : i32
    %dma_start3A_117 = tpu.memref_slice %arg5[%dma_start3A_112, %dma_start3A_116] : memref<4x400xi32, #tpu.memory_space<vmem>> -> memref<1x80xi32, #tpu.memory_space<vmem>>
    %dma_start3A_118 = tpu.memref_squeeze %dma_start3A_117 : memref<1x80xi32, #tpu.memory_space<vmem>> -> memref<80xi32, #tpu.memory_space<vmem>>
    %dma_start3A_119 = arith.constant 0 : i32
    %dma_start3A_120 = arith.constant 0 : i32
    %dma_start3A_121 = tpu.memref_slice %arg2[%dma_start3A_119, %dma_start3A_120] : memref<1000000x64xf32, #tpu.memory_space<hbm>> -> memref<1000000x64xf32, #tpu.memory_space<hbm>>
    tpu.enqueue_indirect_dma source(%dma_start3A_121 : memref<1000000x64xf32, #tpu.memory_space<hbm>>) target(%dma_start3A_115 : memref<80x64xf32, #tpu.memory_space<vmem>>) offsets(%dma_start3A_118 : memref<80xi32, #tpu.memory_space<vmem>>) semaphore(%arg7 : memref<!tpu.dma_semaphore, #tpu.memory_space<semaphore_mem>>)
    %dma_start3A_122 = arith.constant 2 : i32
    %dma_start3A_123 = arith.constant 960 : i32
    %dma_start3A_124 = arith.constant 0 : i32
    %dma_start3A_125 = tpu.memref_slice %arg6[%dma_start3A_123, %dma_start3A_124] : memref<1600x64xf32, #tpu.memory_space<vmem>> -> memref<80x64xf32, #tpu.memory_space<vmem>>
    %dma_start3A_126 = arith.constant 160 : i32
    %dma_start3A_127 = tpu.memref_slice %arg5[%dma_start3A_122, %dma_start3A_126] : memref<4x400xi32, #tpu.memory_space<vmem>> -> memref<1x80xi32, #tpu.memory_space<vmem>>
    %dma_start3A_128 = tpu.memref_squeeze %dma_start3A_127 : memref<1x80xi32, #tpu.memory_space<vmem>> -> memref<80xi32, #tpu.memory_space<vmem>>
    %dma_start3A_129 = arith.constant 0 : i32
    %dma_start3A_130 = arith.constant 0 : i32
    %dma_start3A_131 = tpu.memref_slice %arg2[%dma_start3A_129, %dma_start3A_130] : memref<1000000x64xf32, #tpu.memory_space<hbm>> -> memref<1000000x64xf32, #tpu.memory_space<hbm>>
    tpu.enqueue_indirect_dma source(%dma_start3A_131 : memref<1000000x64xf32, #tpu.memory_space<hbm>>) target(%dma_start3A_125 : memref<80x64xf32, #tpu.memory_space<vmem>>) offsets(%dma_start3A_128 : memref<80xi32, #tpu.memory_space<vmem>>) semaphore(%arg7 : memref<!tpu.dma_semaphore, #tpu.memory_space<semaphore_mem>>)
    %dma_start3A_132 = arith.constant 2 : i32
    %dma_start3A_133 = arith.constant 1040 : i32
    %dma_start3A_134 = arith.constant 0 : i32
    %dma_start3A_135 = tpu.memref_slice %arg6[%dma_start3A_133, %dma_start3A_134] : memref<1600x64xf32, #tpu.memory_space<vmem>> -> memref<80x64xf32, #tpu.memory_space<vmem>>
    %dma_start3A_136 = arith.constant 240 : i32
    %dma_start3A_137 = tpu.memref_slice %arg5[%dma_start3A_132, %dma_start3A_136] : memref<4x400xi32, #tpu.memory_space<vmem>> -> memref<1x80xi32, #tpu.memory_space<vmem>>
    %dma_start3A_138 = tpu.memref_squeeze %dma_start3A_137 : memref<1x80xi32, #tpu.memory_space<vmem>> -> memref<80xi32, #tpu.memory_space<vmem>>
    %dma_start3A_139 = arith.constant 0 : i32
    %dma_start3A_140 = arith.constant 0 : i32
    %dma_start3A_141 = tpu.memref_slice %arg2[%dma_start3A_139, %dma_start3A_140] : memref<1000000x64xf32, #tpu.memory_space<hbm>> -> memref<1000000x64xf32, #tpu.memory_space<hbm>>
    tpu.enqueue_indirect_dma source(%dma_start3A_141 : memref<1000000x64xf32, #tpu.memory_space<hbm>>) target(%dma_start3A_135 : memref<80x64xf32, #tpu.memory_space<vmem>>) offsets(%dma_start3A_138 : memref<80xi32, #tpu.memory_space<vmem>>) semaphore(%arg7 : memref<!tpu.dma_semaphore, #tpu.memory_space<semaphore_mem>>)
    %dma_start3A_142 = arith.constant 2 : i32
    %dma_start3A_143 = arith.constant 1120 : i32
    %dma_start3A_144 = arith.constant 0 : i32
    %dma_start3A_145 = tpu.memref_slice %arg6[%dma_start3A_143, %dma_start3A_144] : memref<1600x64xf32, #tpu.memory_space<vmem>> -> memref<80x64xf32, #tpu.memory_space<vmem>>
    %dma_start3A_146 = arith.constant 320 : i32
    %dma_start3A_147 = tpu.memref_slice %arg5[%dma_start3A_142, %dma_start3A_146] : memref<4x400xi32, #tpu.memory_space<vmem>> -> memref<1x80xi32, #tpu.memory_space<vmem>>
    %dma_start3A_148 = tpu.memref_squeeze %dma_start3A_147 : memref<1x80xi32, #tpu.memory_space<vmem>> -> memref<80xi32, #tpu.memory_space<vmem>>
    %dma_start3A_149 = arith.constant 0 : i32
    %dma_start3A_150 = arith.constant 0 : i32
    %dma_start3A_151 = tpu.memref_slice %arg2[%dma_start3A_149, %dma_start3A_150] : memref<1000000x64xf32, #tpu.memory_space<hbm>> -> memref<1000000x64xf32, #tpu.memory_space<hbm>>
    tpu.enqueue_indirect_dma source(%dma_start3A_151 : memref<1000000x64xf32, #tpu.memory_space<hbm>>) target(%dma_start3A_145 : memref<80x64xf32, #tpu.memory_space<vmem>>) offsets(%dma_start3A_148 : memref<80xi32, #tpu.memory_space<vmem>>) semaphore(%arg7 : memref<!tpu.dma_semaphore, #tpu.memory_space<semaphore_mem>>)
    %dma_start3A_152 = arith.constant 3 : i32
    %dma_start3A_153 = arith.constant 1200 : i32
    %dma_start3A_154 = arith.constant 0 : i32
    %dma_start3A_155 = tpu.memref_slice %arg6[%dma_start3A_153, %dma_start3A_154] : memref<1600x64xf32, #tpu.memory_space<vmem>> -> memref<80x64xf32, #tpu.memory_space<vmem>>
    %dma_start3A_156 = arith.constant 0 : i32
    %dma_start3A_157 = tpu.memref_slice %arg5[%dma_start3A_152, %dma_start3A_156] : memref<4x400xi32, #tpu.memory_space<vmem>> -> memref<1x80xi32, #tpu.memory_space<vmem>>
    %dma_start3A_158 = tpu.memref_squeeze %dma_start3A_157 : memref<1x80xi32, #tpu.memory_space<vmem>> -> memref<80xi32, #tpu.memory_space<vmem>>
    %dma_start3A_159 = arith.constant 0 : i32
    %dma_start3A_160 = arith.constant 0 : i32
    %dma_start3A_161 = tpu.memref_slice %arg2[%dma_start3A_159, %dma_start3A_160] : memref<1000000x64xf32, #tpu.memory_space<hbm>> -> memref<1000000x64xf32, #tpu.memory_space<hbm>>
    tpu.enqueue_indirect_dma source(%dma_start3A_161 : memref<1000000x64xf32, #tpu.memory_space<hbm>>) target(%dma_start3A_155 : memref<80x64xf32, #tpu.memory_space<vmem>>) offsets(%dma_start3A_158 : memref<80xi32, #tpu.memory_space<vmem>>) semaphore(%arg7 : memref<!tpu.dma_semaphore, #tpu.memory_space<semaphore_mem>>)
    %dma_start3A_162 = arith.constant 3 : i32
    %dma_start3A_163 = arith.constant 1280 : i32
    %dma_start3A_164 = arith.constant 0 : i32
    %dma_start3A_165 = tpu.memref_slice %arg6[%dma_start3A_163, %dma_start3A_164] : memref<1600x64xf32, #tpu.memory_space<vmem>> -> memref<80x64xf32, #tpu.memory_space<vmem>>
    %dma_start3A_166 = arith.constant 80 : i32
    %dma_start3A_167 = tpu.memref_slice %arg5[%dma_start3A_162, %dma_start3A_166] : memref<4x400xi32, #tpu.memory_space<vmem>> -> memref<1x80xi32, #tpu.memory_space<vmem>>
    %dma_start3A_168 = tpu.memref_squeeze %dma_start3A_167 : memref<1x80xi32, #tpu.memory_space<vmem>> -> memref<80xi32, #tpu.memory_space<vmem>>
    %dma_start3A_169 = arith.constant 0 : i32
    %dma_start3A_170 = arith.constant 0 : i32
    %dma_start3A_171 = tpu.memref_slice %arg2[%dma_start3A_169, %dma_start3A_170] : memref<1000000x64xf32, #tpu.memory_space<hbm>> -> memref<1000000x64xf32, #tpu.memory_space<hbm>>
    tpu.enqueue_indirect_dma source(%dma_start3A_171 : memref<1000000x64xf32, #tpu.memory_space<hbm>>) target(%dma_start3A_165 : memref<80x64xf32, #tpu.memory_space<vmem>>) offsets(%dma_start3A_168 : memref<80xi32, #tpu.memory_space<vmem>>) semaphore(%arg7 : memref<!tpu.dma_semaphore, #tpu.memory_space<semaphore_mem>>)
    %dma_start3A_172 = arith.constant 3 : i32
    %dma_start3A_173 = arith.constant 1360 : i32
    %dma_start3A_174 = arith.constant 0 : i32
    %dma_start3A_175 = tpu.memref_slice %arg6[%dma_start3A_173, %dma_start3A_174] : memref<1600x64xf32, #tpu.memory_space<vmem>> -> memref<80x64xf32, #tpu.memory_space<vmem>>
    %dma_start3A_176 = arith.constant 160 : i32
    %dma_start3A_177 = tpu.memref_slice %arg5[%dma_start3A_172, %dma_start3A_176] : memref<4x400xi32, #tpu.memory_space<vmem>> -> memref<1x80xi32, #tpu.memory_space<vmem>>
    %dma_start3A_178 = tpu.memref_squeeze %dma_start3A_177 : memref<1x80xi32, #tpu.memory_space<vmem>> -> memref<80xi32, #tpu.memory_space<vmem>>
    %dma_start3A_179 = arith.constant 0 : i32
    %dma_start3A_180 = arith.constant 0 : i32
    %dma_start3A_181 = tpu.memref_slice %arg2[%dma_start3A_179, %dma_start3A_180] : memref<1000000x64xf32, #tpu.memory_space<hbm>> -> memref<1000000x64xf32, #tpu.memory_space<hbm>>
    tpu.enqueue_indirect_dma source(%dma_start3A_181 : memref<1000000x64xf32, #tpu.memory_space<hbm>>) target(%dma_start3A_175 : memref<80x64xf32, #tpu.memory_space<vmem>>) offsets(%dma_start3A_178 : memref<80xi32, #tpu.memory_space<vmem>>) semaphore(%arg7 : memref<!tpu.dma_semaphore, #tpu.memory_space<semaphore_mem>>)
    %dma_start3A_182 = arith.constant 3 : i32
    %dma_start3A_183 = arith.constant 1440 : i32
    %dma_start3A_184 = arith.constant 0 : i32
    %dma_start3A_185 = tpu.memref_slice %arg6[%dma_start3A_183, %dma_start3A_184] : memref<1600x64xf32, #tpu.memory_space<vmem>> -> memref<80x64xf32, #tpu.memory_space<vmem>>
    %dma_start3A_186 = arith.constant 240 : i32
    %dma_start3A_187 = tpu.memref_slice %arg5[%dma_start3A_182, %dma_start3A_186] : memref<4x400xi32, #tpu.memory_space<vmem>> -> memref<1x80xi32, #tpu.memory_space<vmem>>
    %dma_start3A_188 = tpu.memref_squeeze %dma_start3A_187 : memref<1x80xi32, #tpu.memory_space<vmem>> -> memref<80xi32, #tpu.memory_space<vmem>>
    %dma_start3A_189 = arith.constant 0 : i32
    %dma_start3A_190 = arith.constant 0 : i32
    %dma_start3A_191 = tpu.memref_slice %arg2[%dma_start3A_189, %dma_start3A_190] : memref<1000000x64xf32, #tpu.memory_space<hbm>> -> memref<1000000x64xf32, #tpu.memory_space<hbm>>
    tpu.enqueue_indirect_dma source(%dma_start3A_191 : memref<1000000x64xf32, #tpu.memory_space<hbm>>) target(%dma_start3A_185 : memref<80x64xf32, #tpu.memory_space<vmem>>) offsets(%dma_start3A_188 : memref<80xi32, #tpu.memory_space<vmem>>) semaphore(%arg7 : memref<!tpu.dma_semaphore, #tpu.memory_space<semaphore_mem>>)
    %dma_start3A_192 = arith.constant 3 : i32
    %dma_start3A_193 = arith.constant 1520 : i32
    %dma_start3A_194 = arith.constant 0 : i32
    %dma_start3A_195 = tpu.memref_slice %arg6[%dma_start3A_193, %dma_start3A_194] : memref<1600x64xf32, #tpu.memory_space<vmem>> -> memref<80x64xf32, #tpu.memory_space<vmem>>
    %dma_start3A_196 = arith.constant 320 : i32
    %dma_start3A_197 = tpu.memref_slice %arg5[%dma_start3A_192, %dma_start3A_196] : memref<4x400xi32, #tpu.memory_space<vmem>> -> memref<1x80xi32, #tpu.memory_space<vmem>>
    %dma_start3A_198 = tpu.memref_squeeze %dma_start3A_197 : memref<1x80xi32, #tpu.memory_space<vmem>> -> memref<80xi32, #tpu.memory_space<vmem>>
    %dma_start3A_199 = arith.constant 0 : i32
    %dma_start3A_200 = arith.constant 0 : i32
    %dma_start3A_201 = tpu.memref_slice %arg2[%dma_start3A_199, %dma_start3A_200] : memref<1000000x64xf32, #tpu.memory_space<hbm>> -> memref<1000000x64xf32, #tpu.memory_space<hbm>>
    tpu.enqueue_indirect_dma source(%dma_start3A_201 : memref<1000000x64xf32, #tpu.memory_space<hbm>>) target(%dma_start3A_195 : memref<80x64xf32, #tpu.memory_space<vmem>>) offsets(%dma_start3A_198 : memref<80xi32, #tpu.memory_space<vmem>>) semaphore(%arg7 : memref<!tpu.dma_semaphore, #tpu.memory_space<semaphore_mem>>)
    %dma_wait3A = arith.constant 0 : i32
    %dma_wait3A_202 = arith.constant 0 : i32
    %dma_wait3A_203 = arith.constant 0 : i32
    %dma_wait3A_204 = tpu.memref_slice %arg6[%dma_wait3A_202, %dma_wait3A_203] : memref<1600x64xf32, #tpu.memory_space<vmem>> -> memref<80x64xf32, #tpu.memory_space<vmem>>
    %dma_wait3A_205 = arith.constant 0 : i32
    %dma_wait3A_206 = tpu.memref_slice %arg5[%dma_wait3A, %dma_wait3A_205] : memref<4x400xi32, #tpu.memory_space<vmem>> -> memref<1x80xi32, #tpu.memory_space<vmem>>
    %dma_wait3A_207 = tpu.memref_squeeze %dma_wait3A_206 : memref<1x80xi32, #tpu.memory_space<vmem>> -> memref<80xi32, #tpu.memory_space<vmem>>
    %dma_wait3A_208 = arith.constant 0 : i32
    %dma_wait3A_209 = arith.constant 0 : i32
    %dma_wait3A_210 = tpu.memref_slice %arg2[%dma_wait3A_208, %dma_wait3A_209] : memref<1000000x64xf32, #tpu.memory_space<hbm>> -> memref<1000000x64xf32, #tpu.memory_space<hbm>>
    tpu.wait_indirect_dma semaphore(%arg7 : memref<!tpu.dma_semaphore, #tpu.memory_space<semaphore_mem>>) src(%dma_wait3A_210 : memref<1000000x64xf32, #tpu.memory_space<hbm>>) dst(%dma_wait3A_204 : memref<80x64xf32, #tpu.memory_space<vmem>>)
    %dma_wait3A_211 = arith.constant 0 : i32
    %dma_wait3A_212 = arith.constant 80 : i32
    %dma_wait3A_213 = arith.constant 0 : i32
    %dma_wait3A_214 = tpu.memref_slice %arg6[%dma_wait3A_212, %dma_wait3A_213] : memref<1600x64xf32, #tpu.memory_space<vmem>> -> memref<80x64xf32, #tpu.memory_space<vmem>>
    %dma_wait3A_215 = arith.constant 80 : i32
    %dma_wait3A_216 = tpu.memref_slice %arg5[%dma_wait3A_211, %dma_wait3A_215] : memref<4x400xi32, #tpu.memory_space<vmem>> -> memref<1x80xi32, #tpu.memory_space<vmem>>
    %dma_wait3A_217 = tpu.memref_squeeze %dma_wait3A_216 : memref<1x80xi32, #tpu.memory_space<vmem>> -> memref<80xi32, #tpu.memory_space<vmem>>
    %dma_wait3A_218 = arith.constant 0 : i32
    %dma_wait3A_219 = arith.constant 0 : i32
    %dma_wait3A_220 = tpu.memref_slice %arg2[%dma_wait3A_218, %dma_wait3A_219] : memref<1000000x64xf32, #tpu.memory_space<hbm>> -> memref<1000000x64xf32, #tpu.memory_space<hbm>>
    tpu.wait_indirect_dma semaphore(%arg7 : memref<!tpu.dma_semaphore, #tpu.memory_space<semaphore_mem>>) src(%dma_wait3A_220 : memref<1000000x64xf32, #tpu.memory_space<hbm>>) dst(%dma_wait3A_214 : memref<80x64xf32, #tpu.memory_space<vmem>>)
    %dma_wait3A_221 = arith.constant 0 : i32
    %dma_wait3A_222 = arith.constant 160 : i32
    %dma_wait3A_223 = arith.constant 0 : i32
    %dma_wait3A_224 = tpu.memref_slice %arg6[%dma_wait3A_222, %dma_wait3A_223] : memref<1600x64xf32, #tpu.memory_space<vmem>> -> memref<80x64xf32, #tpu.memory_space<vmem>>
    %dma_wait3A_225 = arith.constant 160 : i32
    %dma_wait3A_226 = tpu.memref_slice %arg5[%dma_wait3A_221, %dma_wait3A_225] : memref<4x400xi32, #tpu.memory_space<vmem>> -> memref<1x80xi32, #tpu.memory_space<vmem>>
    %dma_wait3A_227 = tpu.memref_squeeze %dma_wait3A_226 : memref<1x80xi32, #tpu.memory_space<vmem>> -> memref<80xi32, #tpu.memory_space<vmem>>
    %dma_wait3A_228 = arith.constant 0 : i32
    %dma_wait3A_229 = arith.constant 0 : i32
    %dma_wait3A_230 = tpu.memref_slice %arg2[%dma_wait3A_228, %dma_wait3A_229] : memref<1000000x64xf32, #tpu.memory_space<hbm>> -> memref<1000000x64xf32, #tpu.memory_space<hbm>>
    tpu.wait_indirect_dma semaphore(%arg7 : memref<!tpu.dma_semaphore, #tpu.memory_space<semaphore_mem>>) src(%dma_wait3A_230 : memref<1000000x64xf32, #tpu.memory_space<hbm>>) dst(%dma_wait3A_224 : memref<80x64xf32, #tpu.memory_space<vmem>>)
    %dma_wait3A_231 = arith.constant 0 : i32
    %dma_wait3A_232 = arith.constant 240 : i32
    %dma_wait3A_233 = arith.constant 0 : i32
    %dma_wait3A_234 = tpu.memref_slice %arg6[%dma_wait3A_232, %dma_wait3A_233] : memref<1600x64xf32, #tpu.memory_space<vmem>> -> memref<80x64xf32, #tpu.memory_space<vmem>>
    %dma_wait3A_235 = arith.constant 240 : i32
    %dma_wait3A_236 = tpu.memref_slice %arg5[%dma_wait3A_231, %dma_wait3A_235] : memref<4x400xi32, #tpu.memory_space<vmem>> -> memref<1x80xi32, #tpu.memory_space<vmem>>
    %dma_wait3A_237 = tpu.memref_squeeze %dma_wait3A_236 : memref<1x80xi32, #tpu.memory_space<vmem>> -> memref<80xi32, #tpu.memory_space<vmem>>
    %dma_wait3A_238 = arith.constant 0 : i32
    %dma_wait3A_239 = arith.constant 0 : i32
    %dma_wait3A_240 = tpu.memref_slice %arg2[%dma_wait3A_238, %dma_wait3A_239] : memref<1000000x64xf32, #tpu.memory_space<hbm>> -> memref<1000000x64xf32, #tpu.memory_space<hbm>>
    tpu.wait_indirect_dma semaphore(%arg7 : memref<!tpu.dma_semaphore, #tpu.memory_space<semaphore_mem>>) src(%dma_wait3A_240 : memref<1000000x64xf32, #tpu.memory_space<hbm>>) dst(%dma_wait3A_234 : memref<80x64xf32, #tpu.memory_space<vmem>>)
    %dma_wait3A_241 = arith.constant 0 : i32
    %dma_wait3A_242 = arith.constant 320 : i32
    %dma_wait3A_243 = arith.constant 0 : i32
    %dma_wait3A_244 = tpu.memref_slice %arg6[%dma_wait3A_242, %dma_wait3A_243] : memref<1600x64xf32, #tpu.memory_space<vmem>> -> memref<80x64xf32, #tpu.memory_space<vmem>>
    %dma_wait3A_245 = arith.constant 320 : i32
    %dma_wait3A_246 = tpu.memref_slice %arg5[%dma_wait3A_241, %dma_wait3A_245] : memref<4x400xi32, #tpu.memory_space<vmem>> -> memref<1x80xi32, #tpu.memory_space<vmem>>
    %dma_wait3A_247 = tpu.memref_squeeze %dma_wait3A_246 : memref<1x80xi32, #tpu.memory_space<vmem>> -> memref<80xi32, #tpu.memory_space<vmem>>
    %dma_wait3A_248 = arith.constant 0 : i32
    %dma_wait3A_249 = arith.constant 0 : i32
    %dma_wait3A_250 = tpu.memref_slice %arg2[%dma_wait3A_248, %dma_wait3A_249] : memref<1000000x64xf32, #tpu.memory_space<hbm>> -> memref<1000000x64xf32, #tpu.memory_space<hbm>>
    tpu.wait_indirect_dma semaphore(%arg7 : memref<!tpu.dma_semaphore, #tpu.memory_space<semaphore_mem>>) src(%dma_wait3A_250 : memref<1000000x64xf32, #tpu.memory_space<hbm>>) dst(%dma_wait3A_244 : memref<80x64xf32, #tpu.memory_space<vmem>>)
    %dma_wait3A_251 = arith.constant 1 : i32
    %dma_wait3A_252 = arith.constant 400 : i32
    %dma_wait3A_253 = arith.constant 0 : i32
    %dma_wait3A_254 = tpu.memref_slice %arg6[%dma_wait3A_252, %dma_wait3A_253] : memref<1600x64xf32, #tpu.memory_space<vmem>> -> memref<80x64xf32, #tpu.memory_space<vmem>>
    %dma_wait3A_255 = arith.constant 0 : i32
    %dma_wait3A_256 = tpu.memref_slice %arg5[%dma_wait3A_251, %dma_wait3A_255] : memref<4x400xi32, #tpu.memory_space<vmem>> -> memref<1x80xi32, #tpu.memory_space<vmem>>
    %dma_wait3A_257 = tpu.memref_squeeze %dma_wait3A_256 : memref<1x80xi32, #tpu.memory_space<vmem>> -> memref<80xi32, #tpu.memory_space<vmem>>
    %dma_wait3A_258 = arith.constant 0 : i32
    %dma_wait3A_259 = arith.constant 0 : i32
    %dma_wait3A_260 = tpu.memref_slice %arg2[%dma_wait3A_258, %dma_wait3A_259] : memref<1000000x64xf32, #tpu.memory_space<hbm>> -> memref<1000000x64xf32, #tpu.memory_space<hbm>>
    tpu.wait_indirect_dma semaphore(%arg7 : memref<!tpu.dma_semaphore, #tpu.memory_space<semaphore_mem>>) src(%dma_wait3A_260 : memref<1000000x64xf32, #tpu.memory_space<hbm>>) dst(%dma_wait3A_254 : memref<80x64xf32, #tpu.memory_space<vmem>>)
    %dma_wait3A_261 = arith.constant 1 : i32
    %dma_wait3A_262 = arith.constant 480 : i32
    %dma_wait3A_263 = arith.constant 0 : i32
    %dma_wait3A_264 = tpu.memref_slice %arg6[%dma_wait3A_262, %dma_wait3A_263] : memref<1600x64xf32, #tpu.memory_space<vmem>> -> memref<80x64xf32, #tpu.memory_space<vmem>>
    %dma_wait3A_265 = arith.constant 80 : i32
    %dma_wait3A_266 = tpu.memref_slice %arg5[%dma_wait3A_261, %dma_wait3A_265] : memref<4x400xi32, #tpu.memory_space<vmem>> -> memref<1x80xi32, #tpu.memory_space<vmem>>
    %dma_wait3A_267 = tpu.memref_squeeze %dma_wait3A_266 : memref<1x80xi32, #tpu.memory_space<vmem>> -> memref<80xi32, #tpu.memory_space<vmem>>
    %dma_wait3A_268 = arith.constant 0 : i32
    %dma_wait3A_269 = arith.constant 0 : i32
    %dma_wait3A_270 = tpu.memref_slice %arg2[%dma_wait3A_268, %dma_wait3A_269] : memref<1000000x64xf32, #tpu.memory_space<hbm>> -> memref<1000000x64xf32, #tpu.memory_space<hbm>>
    tpu.wait_indirect_dma semaphore(%arg7 : memref<!tpu.dma_semaphore, #tpu.memory_space<semaphore_mem>>) src(%dma_wait3A_270 : memref<1000000x64xf32, #tpu.memory_space<hbm>>) dst(%dma_wait3A_264 : memref<80x64xf32, #tpu.memory_space<vmem>>)
    %dma_wait3A_271 = arith.constant 1 : i32
    %dma_wait3A_272 = arith.constant 560 : i32
    %dma_wait3A_273 = arith.constant 0 : i32
    %dma_wait3A_274 = tpu.memref_slice %arg6[%dma_wait3A_272, %dma_wait3A_273] : memref<1600x64xf32, #tpu.memory_space<vmem>> -> memref<80x64xf32, #tpu.memory_space<vmem>>
    %dma_wait3A_275 = arith.constant 160 : i32
    %dma_wait3A_276 = tpu.memref_slice %arg5[%dma_wait3A_271, %dma_wait3A_275] : memref<4x400xi32, #tpu.memory_space<vmem>> -> memref<1x80xi32, #tpu.memory_space<vmem>>
    %dma_wait3A_277 = tpu.memref_squeeze %dma_wait3A_276 : memref<1x80xi32, #tpu.memory_space<vmem>> -> memref<80xi32, #tpu.memory_space<vmem>>
    %dma_wait3A_278 = arith.constant 0 : i32
    %dma_wait3A_279 = arith.constant 0 : i32
    %dma_wait3A_280 = tpu.memref_slice %arg2[%dma_wait3A_278, %dma_wait3A_279] : memref<1000000x64xf32, #tpu.memory_space<hbm>> -> memref<1000000x64xf32, #tpu.memory_space<hbm>>
    tpu.wait_indirect_dma semaphore(%arg7 : memref<!tpu.dma_semaphore, #tpu.memory_space<semaphore_mem>>) src(%dma_wait3A_280 : memref<1000000x64xf32, #tpu.memory_space<hbm>>) dst(%dma_wait3A_274 : memref<80x64xf32, #tpu.memory_space<vmem>>)
    %dma_wait3A_281 = arith.constant 1 : i32
    %dma_wait3A_282 = arith.constant 640 : i32
    %dma_wait3A_283 = arith.constant 0 : i32
    %dma_wait3A_284 = tpu.memref_slice %arg6[%dma_wait3A_282, %dma_wait3A_283] : memref<1600x64xf32, #tpu.memory_space<vmem>> -> memref<80x64xf32, #tpu.memory_space<vmem>>
    %dma_wait3A_285 = arith.constant 240 : i32
    %dma_wait3A_286 = tpu.memref_slice %arg5[%dma_wait3A_281, %dma_wait3A_285] : memref<4x400xi32, #tpu.memory_space<vmem>> -> memref<1x80xi32, #tpu.memory_space<vmem>>
    %dma_wait3A_287 = tpu.memref_squeeze %dma_wait3A_286 : memref<1x80xi32, #tpu.memory_space<vmem>> -> memref<80xi32, #tpu.memory_space<vmem>>
    %dma_wait3A_288 = arith.constant 0 : i32
    %dma_wait3A_289 = arith.constant 0 : i32
    %dma_wait3A_290 = tpu.memref_slice %arg2[%dma_wait3A_288, %dma_wait3A_289] : memref<1000000x64xf32, #tpu.memory_space<hbm>> -> memref<1000000x64xf32, #tpu.memory_space<hbm>>
    tpu.wait_indirect_dma semaphore(%arg7 : memref<!tpu.dma_semaphore, #tpu.memory_space<semaphore_mem>>) src(%dma_wait3A_290 : memref<1000000x64xf32, #tpu.memory_space<hbm>>) dst(%dma_wait3A_284 : memref<80x64xf32, #tpu.memory_space<vmem>>)
    %dma_wait3A_291 = arith.constant 1 : i32
    %dma_wait3A_292 = arith.constant 720 : i32
    %dma_wait3A_293 = arith.constant 0 : i32
    %dma_wait3A_294 = tpu.memref_slice %arg6[%dma_wait3A_292, %dma_wait3A_293] : memref<1600x64xf32, #tpu.memory_space<vmem>> -> memref<80x64xf32, #tpu.memory_space<vmem>>
    %dma_wait3A_295 = arith.constant 320 : i32
    %dma_wait3A_296 = tpu.memref_slice %arg5[%dma_wait3A_291, %dma_wait3A_295] : memref<4x400xi32, #tpu.memory_space<vmem>> -> memref<1x80xi32, #tpu.memory_space<vmem>>
    %dma_wait3A_297 = tpu.memref_squeeze %dma_wait3A_296 : memref<1x80xi32, #tpu.memory_space<vmem>> -> memref<80xi32, #tpu.memory_space<vmem>>
    %dma_wait3A_298 = arith.constant 0 : i32
    %dma_wait3A_299 = arith.constant 0 : i32
    %dma_wait3A_300 = tpu.memref_slice %arg2[%dma_wait3A_298, %dma_wait3A_299] : memref<1000000x64xf32, #tpu.memory_space<hbm>> -> memref<1000000x64xf32, #tpu.memory_space<hbm>>
    tpu.wait_indirect_dma semaphore(%arg7 : memref<!tpu.dma_semaphore, #tpu.memory_space<semaphore_mem>>) src(%dma_wait3A_300 : memref<1000000x64xf32, #tpu.memory_space<hbm>>) dst(%dma_wait3A_294 : memref<80x64xf32, #tpu.memory_space<vmem>>)
    %dma_wait3A_301 = arith.constant 2 : i32
    %dma_wait3A_302 = arith.constant 800 : i32
    %dma_wait3A_303 = arith.constant 0 : i32
    %dma_wait3A_304 = tpu.memref_slice %arg6[%dma_wait3A_302, %dma_wait3A_303] : memref<1600x64xf32, #tpu.memory_space<vmem>> -> memref<80x64xf32, #tpu.memory_space<vmem>>
    %dma_wait3A_305 = arith.constant 0 : i32
    %dma_wait3A_306 = tpu.memref_slice %arg5[%dma_wait3A_301, %dma_wait3A_305] : memref<4x400xi32, #tpu.memory_space<vmem>> -> memref<1x80xi32, #tpu.memory_space<vmem>>
    %dma_wait3A_307 = tpu.memref_squeeze %dma_wait3A_306 : memref<1x80xi32, #tpu.memory_space<vmem>> -> memref<80xi32, #tpu.memory_space<vmem>>
    %dma_wait3A_308 = arith.constant 0 : i32
    %dma_wait3A_309 = arith.constant 0 : i32
    %dma_wait3A_310 = tpu.memref_slice %arg2[%dma_wait3A_308, %dma_wait3A_309] : memref<1000000x64xf32, #tpu.memory_space<hbm>> -> memref<1000000x64xf32, #tpu.memory_space<hbm>>
    tpu.wait_indirect_dma semaphore(%arg7 : memref<!tpu.dma_semaphore, #tpu.memory_space<semaphore_mem>>) src(%dma_wait3A_310 : memref<1000000x64xf32, #tpu.memory_space<hbm>>) dst(%dma_wait3A_304 : memref<80x64xf32, #tpu.memory_space<vmem>>)
    %dma_wait3A_311 = arith.constant 2 : i32
    %dma_wait3A_312 = arith.constant 880 : i32
    %dma_wait3A_313 = arith.constant 0 : i32
    %dma_wait3A_314 = tpu.memref_slice %arg6[%dma_wait3A_312, %dma_wait3A_313] : memref<1600x64xf32, #tpu.memory_space<vmem>> -> memref<80x64xf32, #tpu.memory_space<vmem>>
    %dma_wait3A_315 = arith.constant 80 : i32
    %dma_wait3A_316 = tpu.memref_slice %arg5[%dma_wait3A_311, %dma_wait3A_315] : memref<4x400xi32, #tpu.memory_space<vmem>> -> memref<1x80xi32, #tpu.memory_space<vmem>>
    %dma_wait3A_317 = tpu.memref_squeeze %dma_wait3A_316 : memref<1x80xi32, #tpu.memory_space<vmem>> -> memref<80xi32, #tpu.memory_space<vmem>>
    %dma_wait3A_318 = arith.constant 0 : i32
    %dma_wait3A_319 = arith.constant 0 : i32
    %dma_wait3A_320 = tpu.memref_slice %arg2[%dma_wait3A_318, %dma_wait3A_319] : memref<1000000x64xf32, #tpu.memory_space<hbm>> -> memref<1000000x64xf32, #tpu.memory_space<hbm>>
    tpu.wait_indirect_dma semaphore(%arg7 : memref<!tpu.dma_semaphore, #tpu.memory_space<semaphore_mem>>) src(%dma_wait3A_320 : memref<1000000x64xf32, #tpu.memory_space<hbm>>) dst(%dma_wait3A_314 : memref<80x64xf32, #tpu.memory_space<vmem>>)
    %dma_wait3A_321 = arith.constant 2 : i32
    %dma_wait3A_322 = arith.constant 960 : i32
    %dma_wait3A_323 = arith.constant 0 : i32
    %dma_wait3A_324 = tpu.memref_slice %arg6[%dma_wait3A_322, %dma_wait3A_323] : memref<1600x64xf32, #tpu.memory_space<vmem>> -> memref<80x64xf32, #tpu.memory_space<vmem>>
    %dma_wait3A_325 = arith.constant 160 : i32
    %dma_wait3A_326 = tpu.memref_slice %arg5[%dma_wait3A_321, %dma_wait3A_325] : memref<4x400xi32, #tpu.memory_space<vmem>> -> memref<1x80xi32, #tpu.memory_space<vmem>>
    %dma_wait3A_327 = tpu.memref_squeeze %dma_wait3A_326 : memref<1x80xi32, #tpu.memory_space<vmem>> -> memref<80xi32, #tpu.memory_space<vmem>>
    %dma_wait3A_328 = arith.constant 0 : i32
    %dma_wait3A_329 = arith.constant 0 : i32
    %dma_wait3A_330 = tpu.memref_slice %arg2[%dma_wait3A_328, %dma_wait3A_329] : memref<1000000x64xf32, #tpu.memory_space<hbm>> -> memref<1000000x64xf32, #tpu.memory_space<hbm>>
    tpu.wait_indirect_dma semaphore(%arg7 : memref<!tpu.dma_semaphore, #tpu.memory_space<semaphore_mem>>) src(%dma_wait3A_330 : memref<1000000x64xf32, #tpu.memory_space<hbm>>) dst(%dma_wait3A_324 : memref<80x64xf32, #tpu.memory_space<vmem>>)
    %dma_wait3A_331 = arith.constant 2 : i32
    %dma_wait3A_332 = arith.constant 1040 : i32
    %dma_wait3A_333 = arith.constant 0 : i32
    %dma_wait3A_334 = tpu.memref_slice %arg6[%dma_wait3A_332, %dma_wait3A_333] : memref<1600x64xf32, #tpu.memory_space<vmem>> -> memref<80x64xf32, #tpu.memory_space<vmem>>
    %dma_wait3A_335 = arith.constant 240 : i32
    %dma_wait3A_336 = tpu.memref_slice %arg5[%dma_wait3A_331, %dma_wait3A_335] : memref<4x400xi32, #tpu.memory_space<vmem>> -> memref<1x80xi32, #tpu.memory_space<vmem>>
    %dma_wait3A_337 = tpu.memref_squeeze %dma_wait3A_336 : memref<1x80xi32, #tpu.memory_space<vmem>> -> memref<80xi32, #tpu.memory_space<vmem>>
    %dma_wait3A_338 = arith.constant 0 : i32
    %dma_wait3A_339 = arith.constant 0 : i32
    %dma_wait3A_340 = tpu.memref_slice %arg2[%dma_wait3A_338, %dma_wait3A_339] : memref<1000000x64xf32, #tpu.memory_space<hbm>> -> memref<1000000x64xf32, #tpu.memory_space<hbm>>
    tpu.wait_indirect_dma semaphore(%arg7 : memref<!tpu.dma_semaphore, #tpu.memory_space<semaphore_mem>>) src(%dma_wait3A_340 : memref<1000000x64xf32, #tpu.memory_space<hbm>>) dst(%dma_wait3A_334 : memref<80x64xf32, #tpu.memory_space<vmem>>)
    %dma_wait3A_341 = arith.constant 2 : i32
    %dma_wait3A_342 = arith.constant 1120 : i32
    %dma_wait3A_343 = arith.constant 0 : i32
    %dma_wait3A_344 = tpu.memref_slice %arg6[%dma_wait3A_342, %dma_wait3A_343] : memref<1600x64xf32, #tpu.memory_space<vmem>> -> memref<80x64xf32, #tpu.memory_space<vmem>>
    %dma_wait3A_345 = arith.constant 320 : i32
    %dma_wait3A_346 = tpu.memref_slice %arg5[%dma_wait3A_341, %dma_wait3A_345] : memref<4x400xi32, #tpu.memory_space<vmem>> -> memref<1x80xi32, #tpu.memory_space<vmem>>
    %dma_wait3A_347 = tpu.memref_squeeze %dma_wait3A_346 : memref<1x80xi32, #tpu.memory_space<vmem>> -> memref<80xi32, #tpu.memory_space<vmem>>
    %dma_wait3A_348 = arith.constant 0 : i32
    %dma_wait3A_349 = arith.constant 0 : i32
    %dma_wait3A_350 = tpu.memref_slice %arg2[%dma_wait3A_348, %dma_wait3A_349] : memref<1000000x64xf32, #tpu.memory_space<hbm>> -> memref<1000000x64xf32, #tpu.memory_space<hbm>>
    tpu.wait_indirect_dma semaphore(%arg7 : memref<!tpu.dma_semaphore, #tpu.memory_space<semaphore_mem>>) src(%dma_wait3A_350 : memref<1000000x64xf32, #tpu.memory_space<hbm>>) dst(%dma_wait3A_344 : memref<80x64xf32, #tpu.memory_space<vmem>>)
    %dma_wait3A_351 = arith.constant 3 : i32
    %dma_wait3A_352 = arith.constant 1200 : i32
    %dma_wait3A_353 = arith.constant 0 : i32
    %dma_wait3A_354 = tpu.memref_slice %arg6[%dma_wait3A_352, %dma_wait3A_353] : memref<1600x64xf32, #tpu.memory_space<vmem>> -> memref<80x64xf32, #tpu.memory_space<vmem>>
    %dma_wait3A_355 = arith.constant 0 : i32
    %dma_wait3A_356 = tpu.memref_slice %arg5[%dma_wait3A_351, %dma_wait3A_355] : memref<4x400xi32, #tpu.memory_space<vmem>> -> memref<1x80xi32, #tpu.memory_space<vmem>>
    %dma_wait3A_357 = tpu.memref_squeeze %dma_wait3A_356 : memref<1x80xi32, #tpu.memory_space<vmem>> -> memref<80xi32, #tpu.memory_space<vmem>>
    %dma_wait3A_358 = arith.constant 0 : i32
    %dma_wait3A_359 = arith.constant 0 : i32
    %dma_wait3A_360 = tpu.memref_slice %arg2[%dma_wait3A_358, %dma_wait3A_359] : memref<1000000x64xf32, #tpu.memory_space<hbm>> -> memref<1000000x64xf32, #tpu.memory_space<hbm>>
    tpu.wait_indirect_dma semaphore(%arg7 : memref<!tpu.dma_semaphore, #tpu.memory_space<semaphore_mem>>) src(%dma_wait3A_360 : memref<1000000x64xf32, #tpu.memory_space<hbm>>) dst(%dma_wait3A_354 : memref<80x64xf32, #tpu.memory_space<vmem>>)
    %dma_wait3A_361 = arith.constant 3 : i32
    %dma_wait3A_362 = arith.constant 1280 : i32
    %dma_wait3A_363 = arith.constant 0 : i32
    %dma_wait3A_364 = tpu.memref_slice %arg6[%dma_wait3A_362, %dma_wait3A_363] : memref<1600x64xf32, #tpu.memory_space<vmem>> -> memref<80x64xf32, #tpu.memory_space<vmem>>
    %dma_wait3A_365 = arith.constant 80 : i32
    %dma_wait3A_366 = tpu.memref_slice %arg5[%dma_wait3A_361, %dma_wait3A_365] : memref<4x400xi32, #tpu.memory_space<vmem>> -> memref<1x80xi32, #tpu.memory_space<vmem>>
    %dma_wait3A_367 = tpu.memref_squeeze %dma_wait3A_366 : memref<1x80xi32, #tpu.memory_space<vmem>> -> memref<80xi32, #tpu.memory_space<vmem>>
    %dma_wait3A_368 = arith.constant 0 : i32
    %dma_wait3A_369 = arith.constant 0 : i32
    %dma_wait3A_370 = tpu.memref_slice %arg2[%dma_wait3A_368, %dma_wait3A_369] : memref<1000000x64xf32, #tpu.memory_space<hbm>> -> memref<1000000x64xf32, #tpu.memory_space<hbm>>
    tpu.wait_indirect_dma semaphore(%arg7 : memref<!tpu.dma_semaphore, #tpu.memory_space<semaphore_mem>>) src(%dma_wait3A_370 : memref<1000000x64xf32, #tpu.memory_space<hbm>>) dst(%dma_wait3A_364 : memref<80x64xf32, #tpu.memory_space<vmem>>)
    %dma_wait3A_371 = arith.constant 3 : i32
    %dma_wait3A_372 = arith.constant 1360 : i32
    %dma_wait3A_373 = arith.constant 0 : i32
    %dma_wait3A_374 = tpu.memref_slice %arg6[%dma_wait3A_372, %dma_wait3A_373] : memref<1600x64xf32, #tpu.memory_space<vmem>> -> memref<80x64xf32, #tpu.memory_space<vmem>>
    %dma_wait3A_375 = arith.constant 160 : i32
    %dma_wait3A_376 = tpu.memref_slice %arg5[%dma_wait3A_371, %dma_wait3A_375] : memref<4x400xi32, #tpu.memory_space<vmem>> -> memref<1x80xi32, #tpu.memory_space<vmem>>
    %dma_wait3A_377 = tpu.memref_squeeze %dma_wait3A_376 : memref<1x80xi32, #tpu.memory_space<vmem>> -> memref<80xi32, #tpu.memory_space<vmem>>
    %dma_wait3A_378 = arith.constant 0 : i32
    %dma_wait3A_379 = arith.constant 0 : i32
    %dma_wait3A_380 = tpu.memref_slice %arg2[%dma_wait3A_378, %dma_wait3A_379] : memref<1000000x64xf32, #tpu.memory_space<hbm>> -> memref<1000000x64xf32, #tpu.memory_space<hbm>>
    tpu.wait_indirect_dma semaphore(%arg7 : memref<!tpu.dma_semaphore, #tpu.memory_space<semaphore_mem>>) src(%dma_wait3A_380 : memref<1000000x64xf32, #tpu.memory_space<hbm>>) dst(%dma_wait3A_374 : memref<80x64xf32, #tpu.memory_space<vmem>>)
    %dma_wait3A_381 = arith.constant 3 : i32
    %dma_wait3A_382 = arith.constant 1440 : i32
    %dma_wait3A_383 = arith.constant 0 : i32
    %dma_wait3A_384 = tpu.memref_slice %arg6[%dma_wait3A_382, %dma_wait3A_383] : memref<1600x64xf32, #tpu.memory_space<vmem>> -> memref<80x64xf32, #tpu.memory_space<vmem>>
    %dma_wait3A_385 = arith.constant 240 : i32
    %dma_wait3A_386 = tpu.memref_slice %arg5[%dma_wait3A_381, %dma_wait3A_385] : memref<4x400xi32, #tpu.memory_space<vmem>> -> memref<1x80xi32, #tpu.memory_space<vmem>>
    %dma_wait3A_387 = tpu.memref_squeeze %dma_wait3A_386 : memref<1x80xi32, #tpu.memory_space<vmem>> -> memref<80xi32, #tpu.memory_space<vmem>>
    %dma_wait3A_388 = arith.constant 0 : i32
    %dma_wait3A_389 = arith.constant 0 : i32
    %dma_wait3A_390 = tpu.memref_slice %arg2[%dma_wait3A_388, %dma_wait3A_389] : memref<1000000x64xf32, #tpu.memory_space<hbm>> -> memref<1000000x64xf32, #tpu.memory_space<hbm>>
    tpu.wait_indirect_dma semaphore(%arg7 : memref<!tpu.dma_semaphore, #tpu.memory_space<semaphore_mem>>) src(%dma_wait3A_390 : memref<1000000x64xf32, #tpu.memory_space<hbm>>) dst(%dma_wait3A_384 : memref<80x64xf32, #tpu.memory_space<vmem>>)
    %dma_wait3A_391 = arith.constant 3 : i32
    %dma_wait3A_392 = arith.constant 1520 : i32
    %dma_wait3A_393 = arith.constant 0 : i32
    %dma_wait3A_394 = tpu.memref_slice %arg6[%dma_wait3A_392, %dma_wait3A_393] : memref<1600x64xf32, #tpu.memory_space<vmem>> -> memref<80x64xf32, #tpu.memory_space<vmem>>
    %dma_wait3A_395 = arith.constant 320 : i32
    %dma_wait3A_396 = tpu.memref_slice %arg5[%dma_wait3A_391, %dma_wait3A_395] : memref<4x400xi32, #tpu.memory_space<vmem>> -> memref<1x80xi32, #tpu.memory_space<vmem>>
    %dma_wait3A_397 = tpu.memref_squeeze %dma_wait3A_396 : memref<1x80xi32, #tpu.memory_space<vmem>> -> memref<80xi32, #tpu.memory_space<vmem>>
    %dma_wait3A_398 = arith.constant 0 : i32
    %dma_wait3A_399 = arith.constant 0 : i32
    %dma_wait3A_400 = tpu.memref_slice %arg2[%dma_wait3A_398, %dma_wait3A_399] : memref<1000000x64xf32, #tpu.memory_space<hbm>> -> memref<1000000x64xf32, #tpu.memory_space<hbm>>
    tpu.wait_indirect_dma semaphore(%arg7 : memref<!tpu.dma_semaphore, #tpu.memory_space<semaphore_mem>>) src(%dma_wait3A_400 : memref<1000000x64xf32, #tpu.memory_space<hbm>>) dst(%dma_wait3A_394 : memref<80x64xf32, #tpu.memory_space<vmem>>)
    %mul3A_401 = arith.constant 1600 : i32
    %mul3A_402 = arith.muli %add3A, %mul3A_401 : i32
    "tpu.region"() ({
      %run_scoped3A = tpu.sem_alloc : memref<!tpu.dma_semaphore, #tpu.memory_space<semaphore_mem>>
      %dma_start3A_403 = arith.constant 0 : i32
      %dma_start3A_404 = tpu.memref_slice %arg4[%mul3A_402, %dma_start3A_403] : memref<51200x64xf32, #tpu.memory_space<hbm>> -> memref<1600x64xf32, #tpu.memory_space<hbm>>
      %dma_start3A_405 = arith.constant 0 : i32
      %dma_start3A_406 = tpu.memref_slice %arg4[%mul3A_402, %dma_start3A_405] : memref<51200x64xf32, #tpu.memory_space<hbm>> -> memref<1600x64xf32, #tpu.memory_space<hbm>>
      tpu.enqueue_dma source(%arg6 : memref<1600x64xf32, #tpu.memory_space<vmem>>) target(%dma_start3A_406 : memref<1600x64xf32, #tpu.memory_space<hbm>>) target_semaphore(%run_scoped3A : memref<!tpu.dma_semaphore, #tpu.memory_space<semaphore_mem>>)
      %dma_wait3A_407 = arith.constant 0 : i32
      %dma_wait3A_408 = tpu.memref_slice %arg4[%mul3A_402, %dma_wait3A_407] : memref<51200x64xf32, #tpu.memory_space<hbm>> -> memref<1600x64xf32, #tpu.memory_space<hbm>>
      %dma_wait3A_409 = arith.constant 0 : i32
      %dma_wait3A_410 = tpu.memref_slice %arg4[%mul3A_402, %dma_wait3A_409] : memref<51200x64xf32, #tpu.memory_space<hbm>> -> memref<1600x64xf32, #tpu.memory_space<hbm>>
      tpu.wait_dma2 semaphore(%run_scoped3A : memref<!tpu.dma_semaphore, #tpu.memory_space<semaphore_mem>>) src(%arg6 : memref<1600x64xf32, #tpu.memory_space<vmem>>) dst(%dma_wait3A_410 : memref<1600x64xf32, #tpu.memory_space<hbm>>)
      tpu.yield
    }) : () -> ()
    return
  }
}

module attributes {stable_mosaic.version = 14 : i64} {
  func.func @_flat_body(%arg0: i32, %arg1: memref<64x50xi32, #tpu.memory_space<vmem>>, %arg2: memref<8x400xi32, #tpu.memory_space<vmem>>) attributes {dimension_semantics = [#tpu.dimension_semantics<parallel>], iteration_bounds = array<i64: 16>, scalar_prefetch = 0 : i64, scratch_operands = 0 : i64, tpu.core_type = #tpu.core_type<tc>, window_params = [{transform_indices = @transform_0, window_bounds = array<i64: 64, 50>}, {transform_indices = @transform_1, window_bounds = array<i64: 8, 400>}]} {
    %get3A = arith.constant 0 : index
    %get3A_0 = arith.constant 0 : index
    %get3A_1 = vector.load %arg1[%get3A, %get3A_0] : memref<64x50xi32, #tpu.memory_space<vmem>>, vector<64x50xi32>
    %reshape3A = vector.shape_cast %get3A_1 : vector<64x50xi32> to vector<8x8x50xi32>
    %slice3A = vector.extract_strided_slice %reshape3A {offsets = [0, 0, 0], sizes = [8, 1, 50], strides = [1, 1, 1]} : vector<8x8x50xi32> to vector<8x1x50xi32>
    %squeeze3A = vector.shape_cast %slice3A : vector<8x1x50xi32> to vector<8x50xi32>
    %slice3A_2 = vector.extract_strided_slice %reshape3A {offsets = [0, 1, 0], sizes = [8, 1, 50], strides = [1, 1, 1]} : vector<8x8x50xi32> to vector<8x1x50xi32>
    %squeeze3A_3 = vector.shape_cast %slice3A_2 : vector<8x1x50xi32> to vector<8x50xi32>
    %slice3A_4 = vector.extract_strided_slice %reshape3A {offsets = [0, 2, 0], sizes = [8, 1, 50], strides = [1, 1, 1]} : vector<8x8x50xi32> to vector<8x1x50xi32>
    %squeeze3A_5 = vector.shape_cast %slice3A_4 : vector<8x1x50xi32> to vector<8x50xi32>
    %slice3A_6 = vector.extract_strided_slice %reshape3A {offsets = [0, 3, 0], sizes = [8, 1, 50], strides = [1, 1, 1]} : vector<8x8x50xi32> to vector<8x1x50xi32>
    %squeeze3A_7 = vector.shape_cast %slice3A_6 : vector<8x1x50xi32> to vector<8x50xi32>
    %slice3A_8 = vector.extract_strided_slice %reshape3A {offsets = [0, 4, 0], sizes = [8, 1, 50], strides = [1, 1, 1]} : vector<8x8x50xi32> to vector<8x1x50xi32>
    %squeeze3A_9 = vector.shape_cast %slice3A_8 : vector<8x1x50xi32> to vector<8x50xi32>
    %slice3A_10 = vector.extract_strided_slice %reshape3A {offsets = [0, 5, 0], sizes = [8, 1, 50], strides = [1, 1, 1]} : vector<8x8x50xi32> to vector<8x1x50xi32>
    %squeeze3A_11 = vector.shape_cast %slice3A_10 : vector<8x1x50xi32> to vector<8x50xi32>
    %slice3A_12 = vector.extract_strided_slice %reshape3A {offsets = [0, 6, 0], sizes = [8, 1, 50], strides = [1, 1, 1]} : vector<8x8x50xi32> to vector<8x1x50xi32>
    %squeeze3A_13 = vector.shape_cast %slice3A_12 : vector<8x1x50xi32> to vector<8x50xi32>
    %slice3A_14 = vector.extract_strided_slice %reshape3A {offsets = [0, 7, 0], sizes = [8, 1, 50], strides = [1, 1, 1]} : vector<8x8x50xi32> to vector<8x1x50xi32>
    %squeeze3A_15 = vector.shape_cast %slice3A_14 : vector<8x1x50xi32> to vector<8x50xi32>
    %concatenate3A = tpu.concatenate %squeeze3A, %squeeze3A_3, %squeeze3A_5, %squeeze3A_7, %squeeze3A_9, %squeeze3A_11, %squeeze3A_13, %squeeze3A_15 in 1 : vector<8x50xi32>, vector<8x50xi32>, vector<8x50xi32>, vector<8x50xi32>, vector<8x50xi32>, vector<8x50xi32>, vector<8x50xi32>, vector<8x50xi32> -> vector<8x400xi32>
    %swap3A = arith.constant 0 : index
    %swap3A_16 = arith.constant 0 : index
    %swap3A_17 = vector.load %arg2[%swap3A, %swap3A_16] : memref<8x400xi32, #tpu.memory_space<vmem>>, vector<8x400xi32>
    tpu.vector_store %arg2[%swap3A, %swap3A_16], %concatenate3A {strides = array<i32>} : memref<8x400xi32, #tpu.memory_space<vmem>>, vector<8x400xi32>,
    return
  }
  func.func @transform_0(%arg0: i32) -> (i32, i32) {
    %c0_i32 = arith.constant 0 : i32
    %c0_i32_0 = arith.constant 0 : i32
    return %arg0, %c0_i32 : i32, i32
  }
  func.func @transform_1(%arg0: i32) -> (i32, i32) {
    %c0_i32 = arith.constant 0 : i32
    %c0_i32_0 = arith.constant 0 : i32
    return %arg0, %c0_i32 : i32, i32
  }
}

module attributes {stable_mosaic.version = 14 : i64} {
  func.func @_char_body(%arg0: i32, %arg1: memref<8x50x16xi32, #tpu.memory_space<vmem>>, %arg2: memref<96x32xf32, #tpu.memory_space<vmem>>, %arg3: memref<64x32x5xf32, #tpu.memory_space<vmem>>, %arg4: memref<1x64xf32, #tpu.memory_space<vmem>>, %arg5: memref<400x64xf32, #tpu.memory_space<vmem>>) attributes {dimension_semantics = [#tpu.dimension_semantics<parallel>], iteration_bounds = array<i64: 128>, scalar_prefetch = 0 : i64, scratch_operands = 0 : i64, tpu.core_type = #tpu.core_type<tc>, window_params = [{transform_indices = @transform_0, window_bounds = array<i64: 8, 50, 16>}, {pipeline_mode = #tpu.pipeline_mode<synchronous>, transform_indices = @transform_1, window_bounds = array<i64: 96, 32>}, {pipeline_mode = #tpu.pipeline_mode<synchronous>, transform_indices = @transform_2, window_bounds = array<i64: 64, 32, 5>}, {pipeline_mode = #tpu.pipeline_mode<synchronous>, transform_indices = @transform_3, window_bounds = array<i64: 1, 64>}, {transform_indices = @transform_4, window_bounds = array<i64: 400, 64>}]} {
    %get3A = arith.constant 0 : index
    %get3A_0 = arith.constant 0 : index
    %get3A_1 = arith.constant 0 : index
    %get3A_2 = vector.load %arg1[%get3A, %get3A_0, %get3A_1] : memref<8x50x16xi32, #tpu.memory_space<vmem>>, vector<8x50x16xi32>
    %reshape3A = vector.shape_cast %get3A_2 : vector<8x50x16xi32> to vector<400x16xi32>
    %transpose3A = tpu.transpose %reshape3A, [1, 0] : vector<400x16xi32> -> vector<16x400xi32>
    %broadcast_in_dim3A = vector.shape_cast %transpose3A : vector<16x400xi32> to vector<16x400x1xi32>
    %iota3A = tpu.iota {dimensions = array<i32: 2>} : vector<16x400x96xi32>
    %eq3A = vector.broadcast %broadcast_in_dim3A : vector<16x400x1xi32> to vector<16x400x96xi32>
    %eq3A_3 = arith.cmpi eq, %eq3A, %iota3A : vector<16x400x96xi32>
    %convert_element_type3A = arith.extui %eq3A_3 : vector<16x400x96xi1> to vector<16x400x96xi32>
    %convert_element_type3A_4 = arith.sitofp %convert_element_type3A : vector<16x400x96xi32> to vector<16x400x96xf32>
    %get3A_5 = arith.constant 0 : index
    %get3A_6 = arith.constant 0 : index
    %get3A_7 = arith.constant 0 : index
    %get3A_8 = vector.load %arg3[%get3A_5, %get3A_6, %get3A_7] : memref<64x32x5xf32, #tpu.memory_space<vmem>>, vector<64x32x5xf32>
    %slice3A = vector.extract_strided_slice %convert_element_type3A_4 {offsets = [0, 0, 0], sizes = [12, 400, 96], strides = [1, 1, 1]} : vector<16x400x96xf32> to vector<12x400x96xf32>
    %reshape3A_9 = vector.shape_cast %slice3A : vector<12x400x96xf32> to vector<4800x96xf32>
    %get3A_10 = arith.constant 0 : index
    %get3A_11 = arith.constant 0 : index
    %get3A_12 = vector.load %arg2[%get3A_10, %get3A_11] : memref<96x32xf32, #tpu.memory_space<vmem>>, vector<96x32xf32>
    %slice3A_13 = vector.extract_strided_slice %get3A_8 {offsets = [0, 0, 0], sizes = [64, 32, 1], strides = [1, 1, 1]} : vector<64x32x5xf32> to vector<64x32x1xf32>
    %squeeze3A = vector.shape_cast %slice3A_13 : vector<64x32x1xf32> to vector<64x32xf32>
    %dot_general3A = arith.constant dense<0.000000e+00> : vector<96x64xf32>
    %dot_general3A_14 = tpu.matmul %get3A_12, %squeeze3A, %dot_general3A {dimension_numbers = #tpu.dot_dimension_numbers<[1], [1], [0], [0], [0, 0, 1, 0], [], []>, transpose_lhs_hint = false} : vector<96x32xf32>, vector<64x32xf32>, vector<96x64xf32> -> vector<96x64xf32>
    %dot_general3A_15 = arith.constant dense<0.000000e+00> : vector<4800x64xf32>
    %dot_general3A_16 = tpu.matmul %reshape3A_9, %dot_general3A_14, %dot_general3A_15 {dimension_numbers = #tpu.dot_dimension_numbers<[1], [0], [0], [1], [0, 0, 1, 1], [], []>, transpose_lhs_hint = false} : vector<4800x96xf32>, vector<96x64xf32>, vector<4800x64xf32> -> vector<4800x64xf32>
    %slice3A_17 = vector.extract_strided_slice %convert_element_type3A_4 {offsets = [1, 0, 0], sizes = [12, 400, 96], strides = [1, 1, 1]} : vector<16x400x96xf32> to vector<12x400x96xf32>
    %reshape3A_18 = vector.shape_cast %slice3A_17 : vector<12x400x96xf32> to vector<4800x96xf32>
    %get3A_19 = arith.constant 0 : index
    %get3A_20 = arith.constant 0 : index
    %get3A_21 = vector.load %arg2[%get3A_19, %get3A_20] : memref<96x32xf32, #tpu.memory_space<vmem>>, vector<96x32xf32>
    %slice3A_22 = vector.extract_strided_slice %get3A_8 {offsets = [0, 0, 1], sizes = [64, 32, 1], strides = [1, 1, 1]} : vector<64x32x5xf32> to vector<64x32x1xf32>
    %squeeze3A_23 = vector.shape_cast %slice3A_22 : vector<64x32x1xf32> to vector<64x32xf32>
    %dot_general3A_24 = arith.constant dense<0.000000e+00> : vector<96x64xf32>
    %dot_general3A_25 = tpu.matmul %get3A_21, %squeeze3A_23, %dot_general3A_24 {dimension_numbers = #tpu.dot_dimension_numbers<[1], [1], [0], [0], [0, 0, 1, 0], [], []>, transpose_lhs_hint = false} : vector<96x32xf32>, vector<64x32xf32>, vector<96x64xf32> -> vector<96x64xf32>
    %dot_general3A_26 = arith.constant dense<0.000000e+00> : vector<4800x64xf32>
    %dot_general3A_27 = tpu.matmul %reshape3A_18, %dot_general3A_25, %dot_general3A_26 {dimension_numbers = #tpu.dot_dimension_numbers<[1], [0], [0], [1], [0, 0, 1, 1], [], []>, transpose_lhs_hint = false} : vector<4800x96xf32>, vector<96x64xf32>, vector<4800x64xf32> -> vector<4800x64xf32>
    %add3A = arith.addf %dot_general3A_16, %dot_general3A_27 : vector<4800x64xf32>
    %slice3A_28 = vector.extract_strided_slice %convert_element_type3A_4 {offsets = [2, 0, 0], sizes = [12, 400, 96], strides = [1, 1, 1]} : vector<16x400x96xf32> to vector<12x400x96xf32>
    %reshape3A_29 = vector.shape_cast %slice3A_28 : vector<12x400x96xf32> to vector<4800x96xf32>
    %get3A_30 = arith.constant 0 : index
    %get3A_31 = arith.constant 0 : index
    %get3A_32 = vector.load %arg2[%get3A_30, %get3A_31] : memref<96x32xf32, #tpu.memory_space<vmem>>, vector<96x32xf32>
    %slice3A_33 = vector.extract_strided_slice %get3A_8 {offsets = [0, 0, 2], sizes = [64, 32, 1], strides = [1, 1, 1]} : vector<64x32x5xf32> to vector<64x32x1xf32>
    %squeeze3A_34 = vector.shape_cast %slice3A_33 : vector<64x32x1xf32> to vector<64x32xf32>
    %dot_general3A_35 = arith.constant dense<0.000000e+00> : vector<96x64xf32>
    %dot_general3A_36 = tpu.matmul %get3A_32, %squeeze3A_34, %dot_general3A_35 {dimension_numbers = #tpu.dot_dimension_numbers<[1], [1], [0], [0], [0, 0, 1, 0], [], []>, transpose_lhs_hint = false} : vector<96x32xf32>, vector<64x32xf32>, vector<96x64xf32> -> vector<96x64xf32>
    %dot_general3A_37 = arith.constant dense<0.000000e+00> : vector<4800x64xf32>
    %dot_general3A_38 = tpu.matmul %reshape3A_29, %dot_general3A_36, %dot_general3A_37 {dimension_numbers = #tpu.dot_dimension_numbers<[1], [0], [0], [1], [0, 0, 1, 1], [], []>, transpose_lhs_hint = false} : vector<4800x96xf32>, vector<96x64xf32>, vector<4800x64xf32> -> vector<4800x64xf32>
    %add3A_39 = arith.addf %add3A, %dot_general3A_38 : vector<4800x64xf32>
    %slice3A_40 = vector.extract_strided_slice %convert_element_type3A_4 {offsets = [3, 0, 0], sizes = [12, 400, 96], strides = [1, 1, 1]} : vector<16x400x96xf32> to vector<12x400x96xf32>
    %reshape3A_41 = vector.shape_cast %slice3A_40 : vector<12x400x96xf32> to vector<4800x96xf32>
    %get3A_42 = arith.constant 0 : index
    %get3A_43 = arith.constant 0 : index
    %get3A_44 = vector.load %arg2[%get3A_42, %get3A_43] : memref<96x32xf32, #tpu.memory_space<vmem>>, vector<96x32xf32>
    %slice3A_45 = vector.extract_strided_slice %get3A_8 {offsets = [0, 0, 3], sizes = [64, 32, 1], strides = [1, 1, 1]} : vector<64x32x5xf32> to vector<64x32x1xf32>
    %squeeze3A_46 = vector.shape_cast %slice3A_45 : vector<64x32x1xf32> to vector<64x32xf32>
    %dot_general3A_47 = arith.constant dense<0.000000e+00> : vector<96x64xf32>
    %dot_general3A_48 = tpu.matmul %get3A_44, %squeeze3A_46, %dot_general3A_47 {dimension_numbers = #tpu.dot_dimension_numbers<[1], [1], [0], [0], [0, 0, 1, 0], [], []>, transpose_lhs_hint = false} : vector<96x32xf32>, vector<64x32xf32>, vector<96x64xf32> -> vector<96x64xf32>
    %dot_general3A_49 = arith.constant dense<0.000000e+00> : vector<4800x64xf32>
    %dot_general3A_50 = tpu.matmul %reshape3A_41, %dot_general3A_48, %dot_general3A_49 {dimension_numbers = #tpu.dot_dimension_numbers<[1], [0], [0], [1], [0, 0, 1, 1], [], []>, transpose_lhs_hint = false} : vector<4800x96xf32>, vector<96x64xf32>, vector<4800x64xf32> -> vector<4800x64xf32>
    %add3A_51 = arith.addf %add3A_39, %dot_general3A_50 : vector<4800x64xf32>
    %slice3A_52 = vector.extract_strided_slice %convert_element_type3A_4 {offsets = [4, 0, 0], sizes = [12, 400, 96], strides = [1, 1, 1]} : vector<16x400x96xf32> to vector<12x400x96xf32>
    %reshape3A_53 = vector.shape_cast %slice3A_52 : vector<12x400x96xf32> to vector<4800x96xf32>
    %get3A_54 = arith.constant 0 : index
    %get3A_55 = arith.constant 0 : index
    %get3A_56 = vector.load %arg2[%get3A_54, %get3A_55] : memref<96x32xf32, #tpu.memory_space<vmem>>, vector<96x32xf32>
    %slice3A_57 = vector.extract_strided_slice %get3A_8 {offsets = [0, 0, 4], sizes = [64, 32, 1], strides = [1, 1, 1]} : vector<64x32x5xf32> to vector<64x32x1xf32>
    %squeeze3A_58 = vector.shape_cast %slice3A_57 : vector<64x32x1xf32> to vector<64x32xf32>
    %dot_general3A_59 = arith.constant dense<0.000000e+00> : vector<96x64xf32>
    %dot_general3A_60 = tpu.matmul %get3A_56, %squeeze3A_58, %dot_general3A_59 {dimension_numbers = #tpu.dot_dimension_numbers<[1], [1], [0], [0], [0, 0, 1, 0], [], []>, transpose_lhs_hint = false} : vector<96x32xf32>, vector<64x32xf32>, vector<96x64xf32> -> vector<96x64xf32>
    %dot_general3A_61 = arith.constant dense<0.000000e+00> : vector<4800x64xf32>
    %dot_general3A_62 = tpu.matmul %reshape3A_53, %dot_general3A_60, %dot_general3A_61 {dimension_numbers = #tpu.dot_dimension_numbers<[1], [0], [0], [1], [0, 0, 1, 1], [], []>, transpose_lhs_hint = false} : vector<4800x96xf32>, vector<96x64xf32>, vector<4800x64xf32> -> vector<4800x64xf32>
    %add3A_63 = arith.addf %add3A_51, %dot_general3A_62 : vector<4800x64xf32>
    %reshape3A_64 = vector.shape_cast %add3A_63 : vector<4800x64xf32> to vector<12x400x64xf32>
    %reduce_max3A = arith.constant dense<0xFF800000> : vector<400x64xf32>
    %reduce_max3A_65 = vector.multi_reduction <maximumf>, %reshape3A_64, %reduce_max3A [0] : vector<12x400x64xf32> to vector<400x64xf32>
    %get3A_66 = arith.constant 0 : index
    %get3A_67 = arith.constant 0 : index
    %get3A_68 = vector.load %arg4[%get3A_66, %get3A_67] : memref<1x64xf32, #tpu.memory_space<vmem>>, vector<1x64xf32>
    %add3A_69 = vector.broadcast %get3A_68 : vector<1x64xf32> to vector<400x64xf32>
    %add3A_70 = arith.addf %reduce_max3A_65, %add3A_69 : vector<400x64xf32>
    %max3A = arith.constant 0.000000e+00 : f32
    %max3A_71 = vector.broadcast %max3A : f32 to vector<400x64xf32>
    %max3A_72 = arith.maximumf %add3A_70, %max3A_71 : vector<400x64xf32>
    %swap3A = arith.constant 0 : index
    %swap3A_73 = arith.constant 0 : index
    %swap3A_74 = vector.load %arg5[%swap3A, %swap3A_73] : memref<400x64xf32, #tpu.memory_space<vmem>>, vector<400x64xf32>
    tpu.vector_store %arg5[%swap3A, %swap3A_73], %max3A_72 {strides = array<i32>} : memref<400x64xf32, #tpu.memory_space<vmem>>, vector<400x64xf32>,
    return
  }
  func.func @transform_0(%arg0: i32) -> (i32, i32, i32) {
    %c0_i32 = arith.constant 0 : i32
    %c0_i32_0 = arith.constant 0 : i32
    %c0_i32_1 = arith.constant 0 : i32
    return %arg0, %c0_i32, %c0_i32_0 : i32, i32, i32
  }
  func.func @transform_1(%arg0: i32) -> (i32, i32) {
    %c0_i32 = arith.constant 0 : i32
    %c0_i32_0 = arith.constant 0 : i32
    %c0_i32_1 = arith.constant 0 : i32
    return %c0_i32, %c0_i32_0 : i32, i32
  }
  func.func @transform_2(%arg0: i32) -> (i32, i32, i32) {
    %c0_i32 = arith.constant 0 : i32
    %c0_i32_0 = arith.constant 0 : i32
    %c0_i32_1 = arith.constant 0 : i32
    %c0_i32_2 = arith.constant 0 : i32
    return %c0_i32, %c0_i32_0, %c0_i32_1 : i32, i32, i32
  }
  func.func @transform_3(%arg0: i32) -> (i32, i32) {
    %c0_i32 = arith.constant 0 : i32
    %c0_i32_0 = arith.constant 0 : i32
    %c0_i32_1 = arith.constant 0 : i32
    return %c0_i32, %c0_i32_0 : i32, i32
  }
  func.func @transform_4(%arg0: i32) -> (i32, i32) {
    %c0_i32 = arith.constant 0 : i32
    %c0_i32_0 = arith.constant 0 : i32
    return %arg0, %c0_i32 : i32, i32
  }
}

module attributes {stable_mosaic.version = 14 : i64} {
  func.func @_highway_body(%arg0: i32, %arg1: memref<256x64xf32, #tpu.memory_space<vmem>>, %arg2: memref<256x64xf32, #tpu.memory_space<vmem>>, %arg3: memref<128x128xf32, #tpu.memory_space<vmem>>, %arg4: memref<1x128xf32, #tpu.memory_space<vmem>>, %arg5: memref<128x128xf32, #tpu.memory_space<vmem>>, %arg6: memref<1x128xf32, #tpu.memory_space<vmem>>, %arg7: memref<128x128xf32, #tpu.memory_space<vmem>>, %arg8: memref<1x128xf32, #tpu.memory_space<vmem>>, %arg9: memref<128x128xf32, #tpu.memory_space<vmem>>, %arg10: memref<1x128xf32, #tpu.memory_space<vmem>>, %arg11: memref<256x128xf32, #tpu.memory_space<vmem>>) attributes {dimension_semantics = [#tpu.dimension_semantics<parallel>], iteration_bounds = array<i64: 200>, scalar_prefetch = 0 : i64, scratch_operands = 0 : i64, tpu.core_type = #tpu.core_type<tc>, window_params = [{transform_indices = @transform_0, window_bounds = array<i64: 256, 64>}, {transform_indices = @transform_1, window_bounds = array<i64: 256, 64>}, {pipeline_mode = #tpu.pipeline_mode<synchronous>, transform_indices = @transform_2, window_bounds = array<i64: 128, 128>}, {pipeline_mode = #tpu.pipeline_mode<synchronous>, transform_indices = @transform_3, window_bounds = array<i64: 1, 128>}, {pipeline_mode = #tpu.pipeline_mode<synchronous>, transform_indices = @transform_4, window_bounds = array<i64: 128, 128>}, {pipeline_mode = #tpu.pipeline_mode<synchronous>, transform_indices = @transform_5, window_bounds = array<i64: 1, 128>}, {pipeline_mode = #tpu.pipeline_mode<synchronous>, transform_indices = @transform_6, window_bounds = array<i64: 128, 128>}, {pipeline_mode = #tpu.pipeline_mode<synchronous>, transform_indices = @transform_7, window_bounds = array<i64: 1, 128>}, {pipeline_mode = #tpu.pipeline_mode<synchronous>, transform_indices = @transform_8, window_bounds = array<i64: 128, 128>}, {pipeline_mode = #tpu.pipeline_mode<synchronous>, transform_indices = @transform_9, window_bounds = array<i64: 1, 128>}, {transform_indices = @transform_10, window_bounds = array<i64: 256, 128>}]} {
    %get3A = arith.constant 0 : index
    %get3A_0 = arith.constant 0 : index
    %get3A_1 = vector.load %arg1[%get3A, %get3A_0] : memref<256x64xf32, #tpu.memory_space<vmem>>, vector<256x64xf32>
    %get3A_2 = arith.constant 0 : index
    %get3A_3 = arith.constant 0 : index
    %get3A_4 = vector.load %arg2[%get3A_2, %get3A_3] : memref<256x64xf32, #tpu.memory_space<vmem>>, vector<256x64xf32>
    %concatenate3A = tpu.concatenate %get3A_1, %get3A_4 in 1 : vector<256x64xf32>, vector<256x64xf32> -> vector<256x128xf32>
    %get3A_5 = arith.constant 0 : index
    %get3A_6 = arith.constant 0 : index
    %get3A_7 = vector.load %arg3[%get3A_5, %get3A_6] : memref<128x128xf32, #tpu.memory_space<vmem>>, vector<128x128xf32>
    %dot_general3A = arith.constant dense<0.000000e+00> : vector<256x128xf32>
    %dot_general3A_8 = tpu.matmul %concatenate3A, %get3A_7, %dot_general3A {dimension_numbers = #tpu.dot_dimension_numbers<[1], [1], [0], [0], [0, 0, 1, 0], [], []>, transpose_lhs_hint = false} : vector<256x128xf32>, vector<128x128xf32>, vector<256x128xf32> -> vector<256x128xf32>
    %get3A_9 = arith.constant 0 : index
    %get3A_10 = arith.constant 0 : index
    %get3A_11 = vector.load %arg4[%get3A_9, %get3A_10] : memref<1x128xf32, #tpu.memory_space<vmem>>, vector<1x128xf32>
    %add3A = vector.broadcast %get3A_11 : vector<1x128xf32> to vector<256x128xf32>
    %add3A_12 = arith.addf %dot_general3A_8, %add3A : vector<256x128xf32>
    %logistic3A = arith.negf %add3A_12 : vector<256x128xf32>
    %logistic3A_13 = math.exp %logistic3A : vector<256x128xf32>
    %logistic3A_14 = arith.constant 1.000000e+00 : f32
    %logistic3A_15 = vector.broadcast %logistic3A_14 : f32 to vector<256x128xf32>
    %logistic3A_16 = arith.addf %logistic3A_15, %logistic3A_13 : vector<256x128xf32>
    %logistic3A_17 = arith.divf %logistic3A_15, %logistic3A_16 : vector<256x128xf32>
    %get3A_18 = arith.constant 0 : index
    %get3A_19 = arith.constant 0 : index
    %get3A_20 = vector.load %arg5[%get3A_18, %get3A_19] : memref<128x128xf32, #tpu.memory_space<vmem>>, vector<128x128xf32>
    %dot_general3A_21 = arith.constant dense<0.000000e+00> : vector<256x128xf32>
    %dot_general3A_22 = tpu.matmul %concatenate3A, %get3A_20, %dot_general3A_21 {dimension_numbers = #tpu.dot_dimension_numbers<[1], [1], [0], [0], [0, 0, 1, 0], [], []>, transpose_lhs_hint = false} : vector<256x128xf32>, vector<128x128xf32>, vector<256x128xf32> -> vector<256x128xf32>
    %get3A_23 = arith.constant 0 : index
    %get3A_24 = arith.constant 0 : index
    %get3A_25 = vector.load %arg6[%get3A_23, %get3A_24] : memref<1x128xf32, #tpu.memory_space<vmem>>, vector<1x128xf32>
    %add3A_26 = vector.broadcast %get3A_25 : vector<1x128xf32> to vector<256x128xf32>
    %add3A_27 = arith.addf %dot_general3A_22, %add3A_26 : vector<256x128xf32>
    %max3A = arith.constant 0.000000e+00 : f32
    %max3A_28 = vector.broadcast %max3A : f32 to vector<256x128xf32>
    %max3A_29 = arith.maximumf %add3A_27, %max3A_28 : vector<256x128xf32>
    %mul3A = arith.mulf %logistic3A_17, %max3A_29 : vector<256x128xf32>
    %sub3A = arith.constant 1.000000e+00 : f32
    %sub3A_30 = vector.broadcast %sub3A : f32 to vector<256x128xf32>
    %sub3A_31 = arith.subf %sub3A_30, %logistic3A_17 : vector<256x128xf32>
    %mul3A_32 = arith.mulf %sub3A_31, %concatenate3A : vector<256x128xf32>
    %add3A_33 = arith.addf %mul3A, %mul3A_32 : vector<256x128xf32>
    %get3A_34 = arith.constant 0 : index
    %get3A_35 = arith.constant 0 : index
    %get3A_36 = vector.load %arg7[%get3A_34, %get3A_35] : memref<128x128xf32, #tpu.memory_space<vmem>>, vector<128x128xf32>
    %dot_general3A_37 = arith.constant dense<0.000000e+00> : vector<256x128xf32>
    %dot_general3A_38 = tpu.matmul %add3A_33, %get3A_36, %dot_general3A_37 {dimension_numbers = #tpu.dot_dimension_numbers<[1], [1], [0], [0], [0, 0, 1, 0], [], []>, transpose_lhs_hint = false} : vector<256x128xf32>, vector<128x128xf32>, vector<256x128xf32> -> vector<256x128xf32>
    %get3A_39 = arith.constant 0 : index
    %get3A_40 = arith.constant 0 : index
    %get3A_41 = vector.load %arg8[%get3A_39, %get3A_40] : memref<1x128xf32, #tpu.memory_space<vmem>>, vector<1x128xf32>
    %add3A_42 = vector.broadcast %get3A_41 : vector<1x128xf32> to vector<256x128xf32>
    %add3A_43 = arith.addf %dot_general3A_38, %add3A_42 : vector<256x128xf32>
    %logistic3A_44 = arith.negf %add3A_43 : vector<256x128xf32>
    %logistic3A_45 = math.exp %logistic3A_44 : vector<256x128xf32>
    %logistic3A_46 = arith.constant 1.000000e+00 : f32
    %logistic3A_47 = vector.broadcast %logistic3A_46 : f32 to vector<256x128xf32>
    %logistic3A_48 = arith.addf %logistic3A_47, %logistic3A_45 : vector<256x128xf32>
    %logistic3A_49 = arith.divf %logistic3A_47, %logistic3A_48 : vector<256x128xf32>
    %get3A_50 = arith.constant 0 : index
    %get3A_51 = arith.constant 0 : index
    %get3A_52 = vector.load %arg9[%get3A_50, %get3A_51] : memref<128x128xf32, #tpu.memory_space<vmem>>, vector<128x128xf32>
    %dot_general3A_53 = arith.constant dense<0.000000e+00> : vector<256x128xf32>
    %dot_general3A_54 = tpu.matmul %add3A_33, %get3A_52, %dot_general3A_53 {dimension_numbers = #tpu.dot_dimension_numbers<[1], [1], [0], [0], [0, 0, 1, 0], [], []>, transpose_lhs_hint = false} : vector<256x128xf32>, vector<128x128xf32>, vector<256x128xf32> -> vector<256x128xf32>
    %get3A_55 = arith.constant 0 : index
    %get3A_56 = arith.constant 0 : index
    %get3A_57 = vector.load %arg10[%get3A_55, %get3A_56] : memref<1x128xf32, #tpu.memory_space<vmem>>, vector<1x128xf32>
    %add3A_58 = vector.broadcast %get3A_57 : vector<1x128xf32> to vector<256x128xf32>
    %add3A_59 = arith.addf %dot_general3A_54, %add3A_58 : vector<256x128xf32>
    %max3A_60 = arith.constant 0.000000e+00 : f32
    %max3A_61 = vector.broadcast %max3A_60 : f32 to vector<256x128xf32>
    %max3A_62 = arith.maximumf %add3A_59, %max3A_61 : vector<256x128xf32>
    %mul3A_63 = arith.mulf %logistic3A_49, %max3A_62 : vector<256x128xf32>
    %sub3A_64 = arith.constant 1.000000e+00 : f32
    %sub3A_65 = vector.broadcast %sub3A_64 : f32 to vector<256x128xf32>
    %sub3A_66 = arith.subf %sub3A_65, %logistic3A_49 : vector<256x128xf32>
    %mul3A_67 = arith.mulf %sub3A_66, %add3A_33 : vector<256x128xf32>
    %add3A_68 = arith.addf %mul3A_63, %mul3A_67 : vector<256x128xf32>
    %swap3A = arith.constant 0 : index
    %swap3A_69 = arith.constant 0 : index
    %swap3A_70 = vector.load %arg11[%swap3A, %swap3A_69] : memref<256x128xf32, #tpu.memory_space<vmem>>, vector<256x128xf32>
    tpu.vector_store %arg11[%swap3A, %swap3A_69], %add3A_68 {strides = array<i32>} : memref<256x128xf32, #tpu.memory_space<vmem>>, vector<256x128xf32>,
    return
  }
  func.func @transform_0(%arg0: i32) -> (i32, i32) {
    %c0_i32 = arith.constant 0 : i32
    %c0_i32_0 = arith.constant 0 : i32
    return %arg0, %c0_i32 : i32, i32
  }
  func.func @transform_1(%arg0: i32) -> (i32, i32) {
    %c0_i32 = arith.constant 0 : i32
    %c0_i32_0 = arith.constant 0 : i32
    return %arg0, %c0_i32 : i32, i32
  }
  func.func @transform_2(%arg0: i32) -> (i32, i32) {
    %c0_i32 = arith.constant 0 : i32
    %c0_i32_0 = arith.constant 0 : i32
    %c0_i32_1 = arith.constant 0 : i32
    return %c0_i32, %c0_i32_0 : i32, i32
  }
  func.func @transform_3(%arg0: i32) -> (i32, i32) {
    %c0_i32 = arith.constant 0 : i32
    %c0_i32_0 = arith.constant 0 : i32
    %c0_i32_1 = arith.constant 0 : i32
    return %c0_i32, %c0_i32_0 : i32, i32
  }
  func.func @transform_4(%arg0: i32) -> (i32, i32) {
    %c0_i32 = arith.constant 0 : i32
    %c0_i32_0 = arith.constant 0 : i32
    %c0_i32_1 = arith.constant 0 : i32
    return %c0_i32, %c0_i32_0 : i32, i32
  }
  func.func @transform_5(%arg0: i32) -> (i32, i32) {
    %c0_i32 = arith.constant 0 : i32
    %c0_i32_0 = arith.constant 0 : i32
    %c0_i32_1 = arith.constant 0 : i32
    return %c0_i32, %c0_i32_0 : i32, i32
  }
  func.func @transform_6(%arg0: i32) -> (i32, i32) {
    %c0_i32 = arith.constant 0 : i32
    %c0_i32_0 = arith.constant 0 : i32
    %c0_i32_1 = arith.constant 0 : i32
    return %c0_i32, %c0_i32_0 : i32, i32
  }
  func.func @transform_7(%arg0: i32) -> (i32, i32) {
    %c0_i32 = arith.constant 0 : i32
    %c0_i32_0 = arith.constant 0 : i32
    %c0_i32_1 = arith.constant 0 : i32
    return %c0_i32, %c0_i32_0 : i32, i32
  }
  func.func @transform_8(%arg0: i32) -> (i32, i32) {
    %c0_i32 = arith.constant 0 : i32
    %c0_i32_0 = arith.constant 0 : i32
    %c0_i32_1 = arith.constant 0 : i32
    return %c0_i32, %c0_i32_0 : i32, i32
  }
  func.func @transform_9(%arg0: i32) -> (i32, i32) {
    %c0_i32 = arith.constant 0 : i32
    %c0_i32_0 = arith.constant 0 : i32
    %c0_i32_1 = arith.constant 0 : i32
    return %c0_i32, %c0_i32_0 : i32, i32
  }
  func.func @transform_10(%arg0: i32) -> (i32, i32) {
    %c0_i32 = arith.constant 0 : i32
    %c0_i32_0 = arith.constant 0 : i32
    return %arg0, %c0_i32 : i32, i32
  }
}

</mosaic_0001>

<sc_bundles>
// kernel: kernel.6.cloned.1.call-start
scs
__scs_entry_jumppad:
0x0: {  	(pc) =	sbr.rel $0x88, $3  }
0x1: {  	(tag) =	ssettag $0x0;
	lr =	simm.s32 $0x1  }
0x2: {  	[smem:$0x3F93] =	sst lr;
	_ =	strace $0xD0000000  }
0x3: {  	_ = 	snop  }
0x4: {  	_ = 	snop  }
0x5: {  	_ = 	snop  }
0x6: {  	_ = 	snop  }
0x7: {  	_ = 	snop  }
__scs_overlays_trampoline_lowered:
0x8: {  	[smem:$0x3FA2] =	sst s0  }
0x9: {  	[smem:$0x3FA3] =	sst s1  }
0xa: {  	[smem:$0x3FA4] =	sst s2  }
0xb: {  	[smem:$0x3FA5] =	sst s3  }
0xc: {  	[smem:$0x3FA6] =	sst s4  }
0xd: {  	[smem:$0x3FA7] =	sst s5  }
0xe: {  	[smem:$0x3FA8] =	sst s6  }
0xf: {  	[smem:$0x3FA9] =	sst s7  }
0x10: {  	[smem:$0x3FAA] =	sst s8  }
0x11: {  	[smem:$0x3FAB] =	sst s9;
	s0 =	simm.s32 @!p0 $0x0  }
0x12: {  	s1 =	sld [smem:$0x3F91];
	s0 =	simm.s32 @p0 $0x1  }
0x13: {  	[smem:$0x3FAC] =	sst s0;
	s0 =	simm.s32 @!p1 $0x0  }
0x14: {  	s2 =	sld [smem:$0x3F90];
	s0 =	simm.s32 @p1 $0x1  }
0x15: {  	[smem:$0x3FAD] =	sst s0;
	s0 =	simm.s32 @!p2 $0x0  }
0x16: {  	s3 =	sld [smem:$0x3FDB];
	s0 =	simm.s32 @p2 $0x1  }
0x17: {  	s4 =	simm.s32 $0x1BF5;
	[smem:$0x3FAF] =	sst s0  }
0x18: {  	s0 =	sld [smem:$0x3F92];
	_ =	swait.ge [sflag:s4], $0x0  }
0x19: {  	s7 =	sld [smem:$0x3F93]  }
0x1a: {  	s8 =	sadd.s32 $0xFFFFE003, lr  }
0x1b: {  	s9 =	sadd.s32 $0xFFFFFEF7, lr;
	s5 =	simm.s32 $0xFFFFFFFF;
	p2 =	slt.u32 s8, $0xFFFFF086  }
0x1c: {  	p1 =	slt.u32 s9, $0xF7A;
	s5 =	simm.s32 @!p2 $0x0  }
0x1d: {  	s5 =	simm.s32 @p1 $0x1;
	p0 =	seq.s32 s7, s2  }
0x1e: {  	s7 =	smul.u32 @!p0 $0xF7A, s2;
	p2 =	seq.s32 @!p0 s5, $0x0  }
0x1f: {  	s9 =	smul.u32 $0xF7A, s1;
	s8 =	simm.s32 @!p0 $0x1BF5;
	p2 =	por !p2, p0  }
0x20: {  	[sflag:s8] =	ssyncset.s32 @!p0 $0xFFFFF086;
	s6 =	sadd.s32 @!p0 s3, s7;
	s7 =	simm.s32 @!p0 $0x108  }
0x21: {  	s3 =	sadd.s32 s3, s9;
	s6 =	sadd.s32 @!p0 $0x88, s6;
	s7 =	simm.s32 @p2 $0x1082  }
0x22: {  	[simem:s7], [sflag:s8] =	dma.local @!p0 [hbm:s6], $0xF7A  }
0x23: {  	s9 =	sor.u32 $0xD0000000, s2;
	s6 =	simm.s32 $0x108;
	_ =	swait.ge @!p0 [sflag:s8], $0x0  }
0x24: {  	s3 =	sadd.s32 $0x88, s3;
	s6 =	simm.s32 @!p1 $0x1082;
	[sflag:s4] =	ssyncset.s32 $0xFFFFF086  }
0x25: {  	[simem:s6], [sflag:s4] =	dma.local [hbm:s3], $0xF7A  }
0x26: {  	[smem:$0x3F93] =	sst s1;
	(tag) =	ssettag s2;
	_ =	strace s9  }
0x27: {  	s1 =	sld [smem:$0x3FA3]  }
0x28: {  	s2 =	sld [smem:$0x3FA4]  }
0x29: {  	s4 =	sld [smem:$0x3FA6]  }
0x2a: {  	p0 =	seq.s32 s5, $0x0;
	s5 =	sld [smem:$0x3FA7]  }
0x2b: {  	s6 =	sld [smem:$0x3FA8]  }
0x2c: {  	s7 =	sld [smem:$0x3FA9]  }
0x2d: {  	s3 =	simm.s32 $0x108;
	s8 =	sld [smem:$0x3FAA]  }
0x2e: {  	s3 =	simm.s32 @!p0 $0x1082;
	s9 =	sld [smem:$0x3FAB]  }
0x2f: {  	lr =	sadd.s32 s0, s3;
	s0 =	sld [smem:$0x3FA2]  }
0x30: {  	s3 =	sld [smem:$0x3FA5]  }
0x31: {  	[smem:$0x3FAE] =	sst s10  }
0x32: {  	s10 =	sld [smem:$0x3FAC];
	_ =	sdelay $0x3  }
0x33: {  	p0 =	seq.s32 s10, $0x1;
	s10 =	sld [smem:$0x3FAE];
	_ =	sdelay $0x3  }
0x34: {  	[smem:$0x3FAE] =	sst s10  }
0x35: {  	s10 =	sld [smem:$0x3FAD];
	_ =	sdelay $0x3  }
0x36: {  	p1 =	seq.s32 s10, $0x1;
	s10 =	sld [smem:$0x3FAE];
	_ =	sdelay $0x3  }
0x37: {  	[smem:$0x3FAE] =	sst s10  }
0x38: {  	s10 =	sld [smem:$0x3FAF]  }
0x39: {  	_ = 	snop;
	(pc) =	sbr.ind lr, $3  }
0x3a: {  	_ = 	snop  }
0x3b: {  	_ = 	snop  }
0x3c: {  	p2 =	seq.s32 s10, $0x1;
	s10 =	sld [smem:$0x3FAE]  }
0x3d: {  	_ =	shalt  }
0x3e: {  	_ =	shalt  }
0x3f: {  	_ =	shalt  }
0x40: {  	_ =	shalt  }
0x41: {  	_ =	shalt  }
0x42: {  	_ =	shalt  }
0x43: {  	_ =	shalt  }
0x44: {  	_ =	shalt  }
0x45: {  	_ =	shalt  }
0x46: {  	_ =	shalt  }
0x47: {  	_ =	shalt  }
0x48: {  	_ =	shalt  }
0x49: {  	_ =	shalt  }
0x4a: {  	_ =	shalt  }
0x4b: {  	_ =	shalt  }
0x4c: {  	_ =	shalt  }
0x4d: {  	_ =	shalt  }
0x4e: {  	_ =	shalt  }
0x4f: {  	_ =	shalt  }
0x50: {  	_ =	shalt  }
0x51: {  	_ =	shalt  }
0x52: {  	_ =	shalt  }
0x53: {  	_ =	shalt  }
0x54: {  	_ =	shalt  }
0x55: {  	_ =	shalt  }
0x56: {  	_ =	shalt  }
0x57: {  	_ =	shalt  }
0x58: {  	_ =	shalt  }
0x59: {  	_ =	shalt  }
0x5a: {  	_ =	shalt  }
0x5b: {  	_ =	shalt  }
0x5c: {  	_ =	shalt  }
0x5d: {  	_ =	shalt  }
0x5e: {  	_ =	shalt  }
0x5f: {  	_ =	shalt  }
0x60: {  	_ =	shalt  }
0x61: {  	_ =	shalt  }
0x62: {  	_ =	shalt  }
0x63: {  	_ =	shalt  }
0x64: {  	_ =	shalt  }
0x65: {  	_ =	shalt  }
0x66: {  	_ =	shalt  }
0x67: {  	_ =	shalt  }
0x68: {  	_ =	shalt  }
0x69: {  	_ =	shalt  }
0x6a: {  	_ =	shalt  }
0x6b: {  	_ =	shalt  }
0x6c: {  	_ =	shalt  }
0x6d: {  	_ =	shalt  }
0x6e: {  	_ =	shalt  }
0x6f: {  	_ =	shalt  }
0x70: {  	_ =	shalt  }
0x71: {  	_ =	shalt  }
0x72: {  	_ =	shalt  }
0x73: {  	_ =	shalt  }
0x74: {  	_ =	shalt  }
0x75: {  	_ =	shalt  }
0x76: {  	_ =	shalt  }
0x77: {  	_ =	shalt  }
0x78: {  	_ =	shalt  }
0x79: {  	_ =	shalt  }
0x7a: {  	_ =	shalt  }
0x7b: {  	_ =	shalt  }
0x7c: {  	_ =	shalt  }
0x7d: {  	_ =	shalt  }
0x7e: {  	_ =	shalt  }
0x7f: {  	_ =	shalt  }
0x80: {  	_ =	shalt  }
0x81: {  	_ =	shalt  }
0x82: {  	_ =	shalt  }
0x83: {  	_ =	shalt  }
0x84: {  	_ =	shalt  }
0x85: {  	_ =	shalt  }
0x86: {  	_ =	shalt  }
0x87: {  	_ =	shalt  }
.Lfunc_end0:
.L_simem_size_0:
called_computation_lowered:
.L_overlay_start_0:
0x88: {  	s2 =	sld [smem:$0x3FD9]  }
0x89: {  	s3 =	sld [smem:$0x3FFE];
	_ =	sdelay $0x1  }
0x8a: {  	s1 =	srdreg.scid  }
0x8b: {  	s0 =	sand.u32 $0x1, s1  }
0x8c: {  	s17 =	sshll.u32 s0, $0xA;
	s2 =	sadd.s32 s3, s2  }
0x8d: {  	s2 =	sadd.s32 s2, s17  }
0x8e: {  	[smem:$0x3FBA] =	sst s2  }
0x8f: {  	_ = 	snop  }
0x90: {  	s2 =	sld [smem:$0x3FD0];
	(tm) =	ssettm $0x1  }
0x91: {  	s18 =	sld [smem:$0x3FFB];
	_ =	sdelay $0x3  }
0x92: {  	_ =	strace s18  }
0x93: {  	s3 =	sld [smem:$0x3FFC];
	_ =	sdelay $0x3  }
0x94: {  	_ =	strace s3  }
0x95: {  	s3 =	sld [smem:$0x3FFD];
	_ =	sdelay $0x3  }
0x96: {  	_ =	strace s3  }
0x97: {  	_ =	strace $0x8FFFFFFF  }
0x98: {  	s19 =	sld [smem:$0x3FDB];
	_ =	sdelay $0x1  }
0x99: {  	s4 =	simm.s32 $_scs_section_size  }
0x9a: {  	s5 =	simm.s32 $_size__tile_overlayer_lowered;
	s6 =	simm.s32 $_tile_overlayer_lowered  }
0x9b: {  	s22 =	simm.s32 $0x1BFF;
	s21 =	sshll.u32 s6, $0x1;
	s3 =	sadd.s32 s4, s19  }
0x9c: {  	s7 =	simm.s32 $0x0;
	s20 =	sshll.u32 s5, $0x1;
	s5 =	sadd.s32 s21, s3  }
0x9d: {  	[timem:s7], [sflag:s22] =	dma.local [hbm:s5], s20  }
0x9e: {  	_ =	swait.ge [sflag:s22], s20  }
0x9f: {  	s4 =	ssub.s32 $0x0, s20;
	[sflag:s22] =	ssyncset.done $0x0  }
0xa0: {  	[sflag:s22] =	ssyncadd.s32 s4;
	_ =	sdelay $0x1  }
0xa1: {  	s23 =	simm.s32 $0x1B8B  }
0xa2: {  	_ =	swait.ge [sflag:s23], $0x1  }
0xa3: {  	[sflag:s23] =	ssyncset.done $0x0  }
0xa4: {  	s25 =	simm.s32 $0x1B8E;
	s24 =	sld [smem:$0x3FFE];
	[sflag:s23] =	ssyncadd.s32 $0xFFFFFFFF  }
0xa5: {  	s26 =	simm.s32 $execute0_lowered;
	[smem:$0x3FD2] =	sst s25  }
0xa6: {  	s5 =	sshll.u32 s26, $0x1;
	_ =	strace $0x80000046;
	[dreg:$0x1] =	wrdreg $0xFFFFFFFF  }
0xa7: {  	s28 =	simm.s32 $_size_execute0_lowered;
	s3 =	sadd.s32 s3, s5;
	[dreg:$0x0] =	wrdreg $0x0  }
0xa8: {  	s5 =	sshll.u32 s28, $0x1;
	[dreg:$0x2] =	wrdreg s3  }
0xa9: {  	[dreg:$0x3] =	wrdreg s5  }
0xaa: {  	[dreg:$0x4] =	wrdreg $0xC0  }
0xab: {  	_ =	task [dreg:s7], $0x5FFFF  }
0xac: {  	[dreg:$0x1] =	wrdreg $0xFFFFFFFF  }
0xad: {  	[dreg:$0x0] =	wrdreg $0x60  }
0xae: {  	[dreg:$0x2] =	wrdreg s24  }
0xaf: {  	[dreg:$0x3] =	wrdreg s2  }
0xb0: {  	[dreg:$0x4] =	wrdreg $0x9  }
0xb1: {  	_ =	task.clear_ibuf [dreg:s7], $0x5FFFF;
	_ =	strace $0x90000046  }
0xb2: {  	s29 =	simm.s32 $0x9;
	_ =	strace $0x80000048  }
0xb3: {  	_ =	swait.ge [sflag:s29], $0x1  }
0xb4: {  	[sflag:s29] =	ssyncadd.s32 $0xFFFFFFFF  }
0xb5: {  	_ =	strace $0x90000048  }
0xb6: {  	_ =	sfence  }
0xb7: {  	s30 =	sld [smem:$0x0];
	_ =	sdelay $0x2  }
0xb8: {  	s31 =	sshll.u32 s1, $0xD;
	s1 =	sshrl.u32 s1, $0x2  }
0xb9: {  	s3 =	sand.u32 $0x4000, s31;
	s1 =	sadd.s32 s1, s30  }
0xba: {  	s0 =	sor.u32 s3, s0;
	s1 =	sshll.u32 s1, $0x11  }
0xbb: {  	s0 =	sor.u32 s1, s0  }
0xbc: {  	s0 =	sadd.s32 $0x8F2B, s0  }
0xbd: {  	[sflag:s0] =	ssyncadd.remote.s32 $0x1  }
0xbe: {  	_ =	sfence.sel $0xFFFF  }
0xbf: {  	[dreg:$0x0] =	wrdreg $0xFFFFFFFF;
	(pc) =	sbr.abs _section_cstart, $3  }
0xc0: {  	[dreg:$0x1] =	wrdreg $0xFFFFFFFF  }
0xc1: {  	_ =	task.clear_ibuf [dreg:s7], $0x2FFFF;
	_ =	strace $0x9FFFFFFF  }
0xc2: {  	(tm) =	ssettm $0x7FFFFFFF  }
0xc3: {  	_ =	shalt  }
tec
execute0_lowered:
.L_overlay_start_1:
0x0: {  	(tag) =	ssettag $0x1  }
0x1: {  	s1 =	srdreg.scid;
	s0 =	stileid.u32  }
0x2: {  	s4 =	rddreg [dreg:$0x0];
	s1 =	sand.u32 $0x1, s1;
	s2 =	sshll.u32 s0, $0x1  }
0x3: {  	s5 =	rddreg [dreg:$0x1];
	s3 =	sor.u32 s1, s2;
	s2 =	simm.s32 $0x0  }
0x4: {  	s7 =	simm.s32 $0x2E40;
	[smem:$0x7FF] =	sst s2  }
0x5: {  	s8 =	simm.s32 $0xF0;
	_ =	strace $0x80000047;
	[dreg:$0x7] =	wrdreg s7  }
0x6: {  	s9 =	simm.s32 $0x4240;
	[dreg:$0x8] =	wrdreg s8  }
0x7: {  	s10 =	simm.s32 $0x140;
	[dreg:$0x9] =	wrdreg s9  }
0x8: {  	s11 =	simm.s32 $0x5640;
	[dreg:$0xa] =	wrdreg s10  }
0x9: {  	s12 =	simm.s32 $0x190;
	[dreg:$0xb] =	wrdreg s11  }
0xa: {  	s13 =	simm.s32 $0x6A40;
	[dreg:$0xc] =	wrdreg s12  }
0xb: {  	s14 =	simm.s32 $0x1E0;
	[dreg:$0xd] =	wrdreg s13  }
0xc: {  	s15 =	simm.s32 $0x7E40;
	[dreg:$0xe] =	wrdreg s14  }
0xd: {  	s16 =	simm.s32 $0x230;
	s6 =	smul.u32 $0x3200, s3;
	[dreg:$0xf] =	wrdreg s15  }
0xe: {  	s17 =	simm.s32 $0x9240;
	s3 =	smul.u32 $0xC8, s3;
	[dreg:$0x10] =	wrdreg s16  }
0xf: {  	s19 =	simm.s32 $0x280;
	[dreg:$0x11] =	wrdreg s17  }
0x10: {  	[dreg:$0x12] =	wrdreg s19;
	s3 =	sadd.s32 s5, s3  }
0x11: {  	s6 =	sadd.s32 s6, s4;
	s5 =	simm.s32 $0x1A40;
	[dreg:$0x3] =	wrdreg s3  }
0x12: {  	s0 =	sadd.s32 $0x1E00, s6;
	[dreg:$0x5] =	wrdreg s5  }
0x13: {  	s6 =	simm.s32 $0xA0;
	[dreg:$0x4] =	wrdreg s0  }
0x14: {  	[dreg:$0x6] =	wrdreg s6  }
0x15: {  	s3 =	simm.s32 $0x2;
	s18 =	rddreg [dreg:$0x3]  }
0x16: {  	[tilespmem:s2], [sflag:$0x2] =	stream.linear.gather [hbm4b:s18+s2], $0x640, $0x38;
	[tilespmem:$0x19640] =	vst v63  }
0x17: {  	_ =	swait.ge [sflag:s3], $0x640  }
0x18: {  	s7 =	rddreg [dreg:$0x11]  }
0x19: {  	s8 =	rddreg [dreg:$0xf]  }
0x1a: {  	s9 =	rddreg [dreg:$0xd]  }
0x1b: {  	s4 =	sadd.s32 $0xF44200, s4;
	s10 =	rddreg [dreg:$0xb]  }
0x1c: {  	s5 =	simm.s32 $0x640;
	s11 =	rddreg [dreg:$0x6];
	[sflag:s3] =	ssyncset.done $0x0  }
0x1d: {  	s6 =	simm.s32 $0x50;
	s12 =	rddreg [dreg:$0x5];
	[sflag:s3] =	ssyncadd.s32 $0xFFFFF9C0  }
0x1e: {  	[tilespmem:s5], [sflag:$0x1] =	stream.indirect.gather [hbm4b:s4+s6], $0x40, s2, s6, $0xb8;
	[tilespmem:$0x19640] =	vst v63  }
0x1f: {  	s13 =	rddreg [dreg:$0x7]  }
0x20: {  	[tilespmem:s12], [sflag:$0x1] =	stream.indirect.gather [hbm4b:s4+s6], $0x40, s6, s6, $0xb8;
	[tilespmem:$0x19640] =	vst v63  }
0x21: {  	s14 =	rddreg [dreg:$0x9]  }
0x22: {  	[tilespmem:s13], [sflag:$0x1] =	stream.indirect.gather [hbm4b:s4+s6], $0x40, s11, s6, $0xb8;
	[tilespmem:$0x19640] =	vst v63  }
0x23: {  	s20 =	rddreg [dreg:$0x8]  }
0x24: {  	[tilespmem:s14], [sflag:$0x1] =	stream.indirect.gather [hbm4b:s4+s6], $0x40, s20, s6, $0xb8;
	[tilespmem:$0x19640] =	vst v63  }
0x25: {  	s21 =	rddreg [dreg:$0xa]  }
0x26: {  	[tilespmem:s10], [sflag:$0x1] =	stream.indirect.gather [hbm4b:s4+s6], $0x40, s21, s6, $0xb8;
	[tilespmem:$0x19640] =	vst v63  }
0x27: {  	s22 =	rddreg [dreg:$0xc]  }
0x28: {  	[tilespmem:s9], [sflag:$0x1] =	stream.indirect.gather [hbm4b:s4+s6], $0x40, s22, s6, $0xb8;
	[tilespmem:$0x19640] =	vst v63  }
0x29: {  	s23 =	rddreg [dreg:$0xe]  }
0x2a: {  	[tilespmem:s8], [sflag:$0x1] =	stream.indirect.gather [hbm4b:s4+s6], $0x40, s23, s6, $0xb8;
	[tilespmem:$0x19640] =	vst v63  }
0x2b: {  	s24 =	rddreg [dreg:$0x10]  }
0x2c: {  	[tilespmem:s7], [sflag:$0x1] =	stream.indirect.gather [hbm4b:s4+s6], $0x40, s24, s6, $0xb8;
	[tilespmem:$0x19640] =	vst v63  }
0x2d: {  	s26 =	simm.s32 $0xA640;
	s25 =	rddreg [dreg:$0x12]  }
0x2e: {  	[tilespmem:s26], [sflag:$0x1] =	stream.indirect.gather [hbm4b:s4+s6], $0x40, s25, s6, $0xb8;
	[tilespmem:$0x19640] =	vst v63  }
0x2f: {  	s8 =	simm.s32 $0xBA40;
	s7 =	simm.s32 $0x2D0  }
0x30: {  	[tilespmem:s8], [sflag:$0x1] =	stream.indirect.gather [hbm4b:s4+s6], $0x40, s7, s6, $0xb8;
	[tilespmem:$0x19640] =	vst v63  }
0x31: {  	s10 =	simm.s32 $0xCE40;
	s9 =	simm.s32 $0x320  }
0x32: {  	[tilespmem:s10], [sflag:$0x1] =	stream.indirect.gather [hbm4b:s4+s6], $0x40, s9, s6, $0xb8;
	[tilespmem:$0x19640] =	vst v63  }
0x33: {  	s12 =	simm.s32 $0xE240;
	s11 =	simm.s32 $0x370  }
0x34: {  	[tilespmem:s12], [sflag:$0x1] =	stream.indirect.gather [hbm4b:s4+s6], $0x40, s11, s6, $0xb8;
	[tilespmem:$0x19640] =	vst v63  }
0x35: {  	s15 =	simm.s32 $0xF640;
	s14 =	simm.s32 $0x3C0  }
0x36: {  	[tilespmem:s15], [sflag:$0x1] =	stream.indirect.gather [hbm4b:s4+s6], $0x40, s14, s6, $0xb8;
	[tilespmem:$0x19640] =	vst v63  }
0x37: {  	s16 =	simm.s32 $0x410;
	s17 =	simm.s32 $0x10A40  }
0x38: {  	[tilespmem:s17], [sflag:$0x1] =	stream.indirect.gather [hbm4b:s4+s6], $0x40, s16, s6, $0xb8;
	[tilespmem:$0x19640] =	vst v63  }
0x39: {  	s19 =	simm.s32 $0x11E40;
	s18 =	simm.s32 $0x460  }
0x3a: {  	[tilespmem:s19], [sflag:$0x1] =	stream.indirect.gather [hbm4b:s4+s6], $0x40, s18, s6, $0xb8;
	[tilespmem:$0x19640] =	vst v63  }
0x3b: {  	s20 =	simm.s32 $0x4B0;
	s21 =	simm.s32 $0x13240  }
0x3c: {  	[tilespmem:s21], [sflag:$0x1] =	stream.indirect.gather [hbm4b:s4+s6], $0x40, s20, s6, $0xb8;
	[tilespmem:$0x19640] =	vst v63  }
0x3d: {  	s22 =	simm.s32 $0x500;
	s23 =	simm.s32 $0x14640  }
0x3e: {  	[tilespmem:s23], [sflag:$0x1] =	stream.indirect.gather [hbm4b:s4+s6], $0x40, s22, s6, $0xb8;
	[tilespmem:$0x19640] =	vst v63  }
0x3f: {  	s24 =	simm.s32 $0x550;
	s25 =	simm.s32 $0x15A40  }
0x40: {  	[tilespmem:s25], [sflag:$0x1] =	stream.indirect.gather [hbm4b:s4+s6], $0x40, s24, s6, $0xb8;
	[tilespmem:$0x19640] =	vst v63  }
0x41: {  	s28 =	simm.s32 $0x16E40;
	s26 =	simm.s32 $0x5A0  }
0x42: {  	[tilespmem:s28], [sflag:$0x1] =	stream.indirect.gather [hbm4b:s4+s6], $0x40, s26, s6, $0xb8;
	[tilespmem:$0x19640] =	vst v63  }
0x43: {  	s30 =	simm.s32 $0x5F0;
	s31 =	simm.s32 $0x18240;
	s29 =	simm.s32 $0x1  }
0x44: {  	[tilespmem:s31], [sflag:$0x1] =	stream.indirect.gather [hbm4b:s4+s6], $0x40, s30, s6, $0xb8;
	[tilespmem:$0x19640] =	vst v63  }
0x45: {  	_ =	swait.ge [sflag:s29], $0x1400  }
0x46: {  	[sflag:s29] =	ssyncset.done $0x0  }
0x47: {  	[sflag:s29] =	ssyncadd.s32 $0xFFFFEC00  }
0x48: {  	_ =	swait.ge [sflag:s29], $0x1400  }
0x49: {  	[sflag:s29] =	ssyncset.done $0x0  }
0x4a: {  	[sflag:s29] =	ssyncadd.s32 $0xFFFFEC00  }
0x4b: {  	_ =	swait.ge [sflag:s29], $0x1400  }
0x4c: {  	[sflag:s29] =	ssyncset.done $0x0  }
0x4d: {  	[sflag:s29] =	ssyncadd.s32 $0xFFFFEC00  }
0x4e: {  	_ =	swait.ge [sflag:s29], $0x1400  }
0x4f: {  	[sflag:s29] =	ssyncset.done $0x0  }
0x50: {  	[sflag:s29] =	ssyncadd.s32 $0xFFFFEC00  }
0x51: {  	_ =	swait.ge [sflag:s29], $0x1400  }
0x52: {  	[sflag:s29] =	ssyncset.done $0x0  }
0x53: {  	[sflag:s29] =	ssyncadd.s32 $0xFFFFEC00  }
0x54: {  	_ =	swait.ge [sflag:s29], $0x1400  }
0x55: {  	[sflag:s29] =	ssyncset.done $0x0  }
0x56: {  	[sflag:s29] =	ssyncadd.s32 $0xFFFFEC00  }
0x57: {  	_ =	swait.ge [sflag:s29], $0x1400  }
0x58: {  	[sflag:s29] =	ssyncset.done $0x0  }
0x59: {  	[sflag:s29] =	ssyncadd.s32 $0xFFFFEC00  }
0x5a: {  	_ =	swait.ge [sflag:s29], $0x1400  }
0x5b: {  	[sflag:s29] =	ssyncset.done $0x0  }
0x5c: {  	[sflag:s29] =	ssyncadd.s32 $0xFFFFEC00  }
0x5d: {  	_ =	swait.ge [sflag:s29], $0x1400  }
0x5e: {  	[sflag:s29] =	ssyncset.done $0x0  }
0x5f: {  	[sflag:s29] =	ssyncadd.s32 $0xFFFFEC00  }
0x60: {  	_ =	swait.ge [sflag:s29], $0x1400  }
0x61: {  	[sflag:s29] =	ssyncset.done $0x0  }
0x62: {  	[sflag:s29] =	ssyncadd.s32 $0xFFFFEC00  }
0x63: {  	_ =	swait.ge [sflag:s29], $0x1400  }
0x64: {  	[sflag:s29] =	ssyncset.done $0x0  }
0x65: {  	[sflag:s29] =	ssyncadd.s32 $0xFFFFEC00  }
0x66: {  	_ =	swait.ge [sflag:s29], $0x1400  }
0x67: {  	[sflag:s29] =	ssyncset.done $0x0  }
0x68: {  	[sflag:s29] =	ssyncadd.s32 $0xFFFFEC00  }
0x69: {  	_ =	swait.ge [sflag:s29], $0x1400  }
0x6a: {  	[sflag:s29] =	ssyncset.done $0x0  }
0x6b: {  	[sflag:s29] =	ssyncadd.s32 $0xFFFFEC00  }
0x6c: {  	_ =	swait.ge [sflag:s29], $0x1400  }
0x6d: {  	[sflag:s29] =	ssyncset.done $0x0  }
0x6e: {  	[sflag:s29] =	ssyncadd.s32 $0xFFFFEC00  }
0x6f: {  	_ =	swait.ge [sflag:s29], $0x1400  }
0x70: {  	[sflag:s29] =	ssyncset.done $0x0  }
0x71: {  	[sflag:s29] =	ssyncadd.s32 $0xFFFFEC00  }
0x72: {  	_ =	swait.ge [sflag:s29], $0x1400  }
0x73: {  	[sflag:s29] =	ssyncset.done $0x0  }
0x74: {  	[sflag:s29] =	ssyncadd.s32 $0xFFFFEC00  }
0x75: {  	s1 =	ssub.s32 $0x2, s1;
	_ =	swait.ge [sflag:s29], $0x1400  }
0x76: {  	s13 =	sshrl.u32 s1, $0x1;
	[sflag:s29] =	ssyncset.done $0x0  }
0x77: {  	s0 =	ssub.s32 s1, s13;
	[sflag:s29] =	ssyncadd.s32 $0xFFFFEC00  }
0x78: {  	s0 =	smax.u32 s0, $0x1;
	_ =	swait.ge [sflag:s29], $0x1400  }
0x79: {  	p0 =	sne.s32 s0, $0x1;
	[sflag:s29] =	ssyncset.done $0x0  }
.Ltmp0:
0x7a: {  	[sflag:s29] =	ssyncadd.s32 $0xFFFFEC00;
	(pc) =	sbr.rel @!p0 .LBB2_2-.Ltmp0, $4  }
0x7b: {  	_ =	swait.ge [sflag:s29], $0x1400  }
0x7c: {  	[sflag:s29] =	ssyncset.done $0x0  }
0x7d: {  	[sflag:s29] =	ssyncadd.s32 $0xFFFFEC00  }
0x7e: {  	s1 =	sadd.s32 $0xFFFFFFFF, s0;
	_ =	swait.ge [sflag:s29], $0x1400  }
.LBB2_1:
0x7f: {  	[sflag:s29] =	ssyncset.done $0x0  }
0x80: {  	s0 =	rddreg [dreg:$0x4];
	[sflag:s29] =	ssyncadd.s32 $0xFFFFEC00  }
0x81: {  	[hbm4b:s0+s2] =	stream.linear.scatter [tilespmem:s5], [sflag:$0x2], $0x19000, $0x38;
	[tilespmem:$0x19640] =	vst v63  }
0x82: {  	_ =	swait.ge [sflag:s3], $0x19000  }
0x83: {  	[sflag:s3] =	ssyncset.done $0x0  }
0x84: {  	s11 =	rddreg [dreg:$0x3];
	[sflag:s3] =	ssyncadd.s32 $0xFFFE7000  }
0x85: {  	[tilespmem:s2], [sflag:$0x2] =	stream.linear.gather [hbm4b:s11+s2], $0x640, $0x38;
	[tilespmem:$0x19640] =	vst v63  }
0x86: {  	_ =	swait.ge [sflag:s3], $0x640  }
0x87: {  	s0 =	rddreg [dreg:$0x11]  }
0x88: {  	s7 =	rddreg [dreg:$0xf]  }
0x89: {  	s8 =	rddreg [dreg:$0xd]  }
0x8a: {  	s9 =	rddreg [dreg:$0xb]  }
0x8b: {  	s10 =	rddreg [dreg:$0x6];
	[sflag:s3] =	ssyncset.done $0x0  }
0x8c: {  	s11 =	rddreg [dreg:$0x5];
	[sflag:s3] =	ssyncadd.s32 $0xFFFFF9C0  }
0x8d: {  	[tilespmem:s5], [sflag:$0x1] =	stream.indirect.gather [hbm4b:s4+s6], $0x40, s2, s6, $0xb8;
	[tilespmem:$0x19640] =	vst v63  }
0x8e: {  	s12 =	rddreg [dreg:$0x7]  }
0x8f: {  	[tilespmem:s11], [sflag:$0x1] =	stream.indirect.gather [hbm4b:s4+s6], $0x40, s6, s6, $0xb8;
	[tilespmem:$0x19640] =	vst v63  }
0x90: {  	s13 =	rddreg [dreg:$0x9]  }
0x91: {  	[tilespmem:s12], [sflag:$0x1] =	stream.indirect.gather [hbm4b:s4+s6], $0x40, s10, s6, $0xb8;
	[tilespmem:$0x19640] =	vst v63  }
0x92: {  	s11 =	rddreg [dreg:$0x8]  }
0x93: {  	[tilespmem:s13], [sflag:$0x1] =	stream.indirect.gather [hbm4b:s4+s6], $0x40, s11, s6, $0xb8;
	[tilespmem:$0x19640] =	vst v63  }
0x94: {  	s12 =	rddreg [dreg:$0xa]  }
0x95: {  	[tilespmem:s9], [sflag:$0x1] =	stream.indirect.gather [hbm4b:s4+s6], $0x40, s12, s6, $0xb8;
	[tilespmem:$0x19640] =	vst v63  }
0x96: {  	s13 =	rddreg [dreg:$0xc]  }
0x97: {  	[tilespmem:s8], [sflag:$0x1] =	stream.indirect.gather [hbm4b:s4+s6], $0x40, s13, s6, $0xb8;
	[tilespmem:$0x19640] =	vst v63  }
0x98: {  	s10 =	rddreg [dreg:$0xe]  }
0x99: {  	[tilespmem:s7], [sflag:$0x1] =	stream.indirect.gather [hbm4b:s4+s6], $0x40, s10, s6, $0xb8;
	[tilespmem:$0x19640] =	vst v63  }
0x9a: {  	s11 =	rddreg [dreg:$0x10]  }
0x9b: {  	[tilespmem:s0], [sflag:$0x1] =	stream.indirect.gather [hbm4b:s4+s6], $0x40, s11, s6, $0xb8;
	[tilespmem:$0x19640] =	vst v63  }
0x9c: {  	s12 =	rddreg [dreg:$0x12];
	s13 =	simm.s32 $0xA640  }
0x9d: {  	[tilespmem:s13], [sflag:$0x1] =	stream.indirect.gather [hbm4b:s4+s6], $0x40, s12, s6, $0xb8;
	[tilespmem:$0x19640] =	vst v63  }
0x9e: {  	s9 =	simm.s32 $0xBA40;
	s8 =	simm.s32 $0x2D0  }
0x9f: {  	[tilespmem:s9], [sflag:$0x1] =	stream.indirect.gather [hbm4b:s4+s6], $0x40, s8, s6, $0xb8;
	[tilespmem:$0x19640] =	vst v63  }
0xa0: {  	s10 =	simm.s32 $0x320;
	s11 =	simm.s32 $0xCE40  }
0xa1: {  	[tilespmem:s11], [sflag:$0x1] =	stream.indirect.gather [hbm4b:s4+s6], $0x40, s10, s6, $0xb8;
	[tilespmem:$0x19640] =	vst v63  }
0xa2: {  	s12 =	simm.s32 $0x370;
	s13 =	simm.s32 $0xE240  }
0xa3: {  	[tilespmem:s13], [sflag:$0x1] =	stream.indirect.gather [hbm4b:s4+s6], $0x40, s12, s6, $0xb8;
	[tilespmem:$0x19640] =	vst v63  }
0xa4: {  	_ = 	snop  }
0xa5: {  	[tilespmem:s15], [sflag:$0x1] =	stream.indirect.gather [hbm4b:s4+s6], $0x40, s14, s6, $0xb8;
	[tilespmem:$0x19640] =	vst v63  }
0xa6: {  	_ = 	snop  }
0xa7: {  	[tilespmem:s17], [sflag:$0x1] =	stream.indirect.gather [hbm4b:s4+s6], $0x40, s16, s6, $0xb8;
	[tilespmem:$0x19640] =	vst v63  }
0xa8: {  	_ = 	snop  }
0xa9: {  	[tilespmem:s19], [sflag:$0x1] =	stream.indirect.gather [hbm4b:s4+s6], $0x40, s18, s6, $0xb8;
	[tilespmem:$0x19640] =	vst v63  }
0xaa: {  	_ = 	snop  }
0xab: {  	[tilespmem:s21], [sflag:$0x1] =	stream.indirect.gather [hbm4b:s4+s6], $0x40, s20, s6, $0xb8;
	[tilespmem:$0x19640] =	vst v63  }
0xac: {  	_ = 	snop  }
0xad: {  	[tilespmem:s23], [sflag:$0x1] =	stream.indirect.gather [hbm4b:s4+s6], $0x40, s22, s6, $0xb8;
	[tilespmem:$0x19640] =	vst v63  }
0xae: {  	_ = 	snop  }
0xaf: {  	[tilespmem:s25], [sflag:$0x1] =	stream.indirect.gather [hbm4b:s4+s6], $0x40, s24, s6, $0xb8;
	[tilespmem:$0x19640] =	vst v63  }
0xb0: {  	_ = 	snop  }
0xb1: {  	[tilespmem:s28], [sflag:$0x1] =	stream.indirect.gather [hbm4b:s4+s6], $0x40, s26, s6, $0xb8;
	[tilespmem:$0x19640] =	vst v63  }
0xb2: {  	_ = 	snop  }
0xb3: {  	[tilespmem:s31], [sflag:$0x1] =	stream.indirect.gather [hbm4b:s4+s6], $0x40, s30, s6, $0xb8;
	[tilespmem:$0x19640] =	vst v63  }
0xb4: {  	_ =	swait.ge [sflag:s29], $0x1400  }
0xb5: {  	[sflag:s29] =	ssyncset.done $0x0  }
0xb6: {  	[sflag:s29] =	ssyncadd.s32 $0xFFFFEC00  }
0xb7: {  	_ =	swait.ge [sflag:s29], $0x1400  }
0xb8: {  	[sflag:s29] =	ssyncset.done $0x0  }
0xb9: {  	[sflag:s29] =	ssyncadd.s32 $0xFFFFEC00  }
0xba: {  	_ =	swait.ge [sflag:s29], $0x1400  }
0xbb: {  	[sflag:s29] =	ssyncset.done $0x0  }
0xbc: {  	[sflag:s29] =	ssyncadd.s32 $0xFFFFEC00  }
0xbd: {  	_ =	swait.ge [sflag:s29], $0x1400  }
0xbe: {  	[sflag:s29] =	ssyncset.done $0x0  }
0xbf: {  	[sflag:s29] =	ssyncadd.s32 $0xFFFFEC00  }
0xc0: {  	_ =	swait.ge [sflag:s29], $0x1400  }
0xc1: {  	[sflag:s29] =	ssyncset.done $0x0  }
0xc2: {  	[sflag:s29] =	ssyncadd.s32 $0xFFFFEC00  }
0xc3: {  	_ =	swait.ge [sflag:s29], $0x1400  }
0xc4: {  	[sflag:s29] =	ssyncset.done $0x0  }
0xc5: {  	[sflag:s29] =	ssyncadd.s32 $0xFFFFEC00  }
0xc6: {  	_ =	swait.ge [sflag:s29], $0x1400  }
0xc7: {  	[sflag:s29] =	ssyncset.done $0x0  }
0xc8: {  	[sflag:s29] =	ssyncadd.s32 $0xFFFFEC00  }
0xc9: {  	_ =	swait.ge [sflag:s29], $0x1400  }
0xca: {  	[sflag:s29] =	ssyncset.done $0x0  }
0xcb: {  	[sflag:s29] =	ssyncadd.s32 $0xFFFFEC00  }
0xcc: {  	_ =	swait.ge [sflag:s29], $0x1400  }
0xcd: {  	[sflag:s29] =	ssyncset.done $0x0  }
0xce: {  	[sflag:s29] =	ssyncadd.s32 $0xFFFFEC00  }
0xcf: {  	_ =	swait.ge [sflag:s29], $0x1400  }
0xd0: {  	[sflag:s29] =	ssyncset.done $0x0  }
0xd1: {  	[sflag:s29] =	ssyncadd.s32 $0xFFFFEC00  }
0xd2: {  	_ =	swait.ge [sflag:s29], $0x1400  }
0xd3: {  	[sflag:s29] =	ssyncset.done $0x0  }
0xd4: {  	[sflag:s29] =	ssyncadd.s32 $0xFFFFEC00  }
0xd5: {  	_ =	swait.ge [sflag:s29], $0x1400  }
0xd6: {  	[sflag:s29] =	ssyncset.done $0x0  }
0xd7: {  	[sflag:s29] =	ssyncadd.s32 $0xFFFFEC00  }
0xd8: {  	_ =	swait.ge [sflag:s29], $0x1400  }
0xd9: {  	[sflag:s29] =	ssyncset.done $0x0  }
0xda: {  	[sflag:s29] =	ssyncadd.s32 $0xFFFFEC00  }
0xdb: {  	_ =	swait.ge [sflag:s29], $0x1400  }
0xdc: {  	[sflag:s29] =	ssyncset.done $0x0  }
0xdd: {  	[sflag:s29] =	ssyncadd.s32 $0xFFFFEC00  }
0xde: {  	_ =	swait.ge [sflag:s29], $0x1400  }
0xdf: {  	[sflag:s29] =	ssyncset.done $0x0  }
0xe0: {  	[sflag:s29] =	ssyncadd.s32 $0xFFFFEC00  }
0xe1: {  	_ =	swait.ge [sflag:s29], $0x1400  }
0xe2: {  	[sflag:s29] =	ssyncset.done $0x0  }
0xe3: {  	[sflag:s29] =	ssyncadd.s32 $0xFFFFEC00  }
0xe4: {  	_ =	swait.ge [sflag:s29], $0x1400  }
0xe5: {  	[sflag:s29] =	ssyncset.done $0x0  }
0xe6: {  	[sflag:s29] =	ssyncadd.s32 $0xFFFFEC00  }
0xe7: {  	_ =	swait.ge [sflag:s29], $0x1400  }
0xe8: {  	p0 =	sne.s32 s1, $0x1;
	[sflag:s29] =	ssyncset.done $0x0  }
.Ltmp1:
0xe9: {  	[sflag:s29] =	ssyncadd.s32 $0xFFFFEC00;
	(pc) =	sbr.rel @p0 .LBB2_1-.Ltmp1, $4  }
0xea: {  	_ =	swait.ge [sflag:s29], $0x1400  }
0xeb: {  	[sflag:s29] =	ssyncset.done $0x0  }
0xec: {  	[sflag:s29] =	ssyncadd.s32 $0xFFFFEC00  }
0xed: {  	s1 =	sadd.s32 $0xFFFFFFFF, s1;
	_ =	swait.ge [sflag:s29], $0x1400  }
.LBB2_2:
0xee: {  	[sflag:s29] =	ssyncset.done $0x0  }
0xef: {  	s0 =	rddreg [dreg:$0x4];
	[sflag:s29] =	ssyncadd.s32 $0xFFFFEC00  }
0xf0: {  	[hbm4b:s0+s2] =	stream.linear.scatter [tilespmem:s5], [sflag:$0x2], $0x19000, $0x38;
	[tilespmem:$0x19640] =	vst v63  }
0xf1: {  	_ =	swait.ge [sflag:s3], $0x19000  }
0xf2: {  	[sflag:s3] =	ssyncset.done $0x0  }
0xf3: {  	[sflag:s3] =	ssyncadd.s32 $0xFFFE7000  }
0xf4: {  	_ =	sfence.sel $0x180000  }
0xf5: {  	[bflag:$0x0] =	sbarrier.arrive $0xFFFF  }
0xf6: {  	_ =	strace $0x90000047  }
0xf7: {  	s31 =	stileid.u32;
	[bflag:$0x2] =	sbarrier.arrive $0xFFFF  }
0xf8: {  	p0 =	sne.s32 s31, $0x0;
	s0 =	rddreg [dreg:$0x2]  }
0xf9: {  	s0 =	sadd.s32 @!p0 $0x100000, s0  }
0xfa: {  	[sflag:s0] =	ssyncadd.tile.s32 @!p0 $0x1;
	_ =	shalt  }
.Lfunc_end2:
_tile_overlayer_lowered:
.L_overlay_start_2:
0xfb: {  	(tag) =	ssettag $0x2  }
0xfc: {  	s0 =	rddreg [dreg:$0x0];
	s2 =	stileid.u32  }
0xfd: {  	s1 =	rddreg [dreg:$0x1];
	p0 =	sne.s32 s2, $0x0  }
0xfe: {  	s3 =	rddreg [dreg:$0x2];
	[bflag:$0x3] =	sbarrier.arrive $0xFFFF;
	s2 =	simm.s32 @!p0 $0x1C02  }
0xff: {  	[timem:s3], [sflag:s2] =	dma.local @!p0 [hbm:s0], s1  }
0x100: {  	s0 =	simm.s32 @!p0 $0x2  }
0x101: {  	_ =	swait.ge @!p0 [sflag:s0], s1  }
0x102: {  	s1 =	ssub.s32 @!p0 $0x0, s1;
	[sflag:s0] =	ssyncset.done @!p0 $0x0  }
0x103: {  	[sflag:s0] =	ssyncadd.s32 @!p0 s1  }
0x104: {  	[bflag:$0x3] =	sbarrier.arrive $0xFFFF  }
0x105: {  	_ =	shalt  }

</sc_bundles>
